<compile_context>
chip_gen: v7x
topology: tpu7x:2x2x1
jax: 0.10.2.dev20260603
libtpu: 0.0.44.dev20260713+nightly
codegen_flags: <defaults>
</compile_context>

<pallas_src>
import functools

import jax
import jax.numpy as jnp
from jax import lax
from jax.experimental import pallas as pl
from jax.experimental.pallas import tpu as pltpu
from jax.experimental.pallas import tpu_sc as plsc

_BLOCK = 8192
_L = 16


def _mlp_kernel(comb_ref, w1_ref, b1_ref, w2_ref, b2_ref, out_ref):
    h = (jnp.dot(comb_ref[...], w1_ref[...], preferred_element_type=jnp.float32)
         + b1_ref[...][None, :])
    h = jnp.maximum(h, 0.0)
    out_ref[...] = (jnp.dot(h, w2_ref[...], preferred_element_type=jnp.float32)
                    + b2_ref[...][None, :])


def _make_sc_gather(B, vp, dp, vi, di, vc, dc):
    info = plsc.get_sparse_core_info()
    nc, ns = info.num_cores, info.num_subcores
    nw = nc * ns
    bpw = B // nw
    D = dp + di + dc
    mesh = plsc.VectorSubcoreMesh(core_axis_name="c", subcore_axis_name="s")

    @functools.partial(
        pl.kernel, mesh=mesh,
        compiler_params=pltpu.CompilerParams(use_tc_tiling_on_sc=False,
                                             needs_layout_passes=False),
        out_type=jax.ShapeDtypeStruct((B, D), jnp.float32),
        scratch_types=[
            pltpu.VMEM((bpw,), jnp.int32),
            pltpu.VMEM((bpw,), jnp.int32),
            pltpu.VMEM((bpw,), jnp.int32),
            pltpu.VMEM((vp, dp), jnp.float32),
            pltpu.VMEM((vi, di), jnp.float32),
            pltpu.VMEM((vc, dc), jnp.float32),
            pltpu.VMEM((bpw, D), jnp.float32),
            pltpu.SemaphoreType.DMA,
        ],
    )
    def sc_gather(pid_hbm, iid_hbm, cid_hbm, tp_hbm, ti_hbm, tc_hbm, out_hbm,
                  ip_v, ii_v, ic_v, tp_v, ti_v, tc_v, comb_v, sem):
        wid = lax.axis_index("s") * nc + lax.axis_index("c")
        base = wid * bpw
        pltpu.sync_copy(pid_hbm.at[pl.ds(base, bpw)], ip_v)
        pltpu.sync_copy(iid_hbm.at[pl.ds(base, bpw)], ii_v)
        pltpu.sync_copy(cid_hbm.at[pl.ds(base, bpw)], ic_v)
        pltpu.sync_copy(tp_hbm, tp_v)
        pltpu.sync_copy(ti_hbm, ti_v)
        pltpu.sync_copy(tc_hbm, tc_v)

        lane = lax.iota(jnp.int32, _L)

        def chunk(k, carry):
            e0 = k * _L
            e16 = lane + e0
            idx_p = ip_v[pl.ds(e0, _L)]
            idx_i = ii_v[pl.ds(e0, _L)]
            idx_c = ic_v[pl.ds(e0, _L)]
            for c in range(dp):
                col = jnp.full((_L,), c, jnp.int32)
                val = plsc.load_gather(tp_v, [idx_p, col])
                plsc.store_scatter(comb_v, [e16, col], val)
            for c in range(di):
                col = jnp.full((_L,), c, jnp.int32)
                val = plsc.load_gather(ti_v, [idx_i, col])
                plsc.store_scatter(comb_v, [e16, col + dp], val)
            for c in range(dc):
                col = jnp.full((_L,), c, jnp.int32)
                val = plsc.load_gather(tc_v, [idx_c, col])
                plsc.store_scatter(comb_v, [e16, col + (dp + di)], val)
            return carry

        lax.fori_loop(0, bpw // _L, chunk, 0)
        pltpu.sync_copy(comb_v, out_hbm.at[pl.ds(base, bpw)])

    return sc_gather


def kernel(platform_id, industry_id, cta_id, platform_table, industry_table,
           cta_table, W1, b1, W2, b2):
    B = platform_id.shape[0]
    vp, dp = platform_table.shape
    vi, di = industry_table.shape
    vc, dc = cta_table.shape
    D = dp + di + dc
    pid = platform_id.astype(jnp.int32)
    iid = industry_id.astype(jnp.int32)
    cid = cta_id.astype(jnp.int32)
    combined = _make_sc_gather(B, vp, dp, vi, di, vc, dc)(
        pid, iid, cid, platform_table, industry_table, cta_table)
    blk = min(_BLOCK, B)
    grid = B // blk
    d_out = W2.shape[1]
    return pl.pallas_call(
        _mlp_kernel,
        grid=(grid,),
        in_specs=[
            pl.BlockSpec((blk, D), lambda i: (i, 0)),
            pl.BlockSpec(W1.shape, lambda i: (0, 0)),
            pl.BlockSpec(b1.shape, lambda i: (0,)),
            pl.BlockSpec(W2.shape, lambda i: (0, 0)),
            pl.BlockSpec(b2.shape, lambda i: (0,)),
        ],
        out_specs=pl.BlockSpec((blk, d_out), lambda i: (i, 0)),
        out_shape=jax.ShapeDtypeStruct((B, d_out), jnp.float32),
    )(combined, W1, b1, W2, b2)

# --- scband reference (transcript-rebuilt; emitter-appended) ---
"""Pipeline reference for scband-metadata-encoder-71494025609395 (READ-ONLY COPY).

The authoritative reference and input builder live on the scoring server;
editing this copy changes nothing except your own understanding.
"""

import jax, jax.numpy as jnp
import numpy as np

NUM_PLATFORMS = 5
NUM_INDUSTRIES = 50
NUM_CTA = 20
B = 16384

def setup_inputs(seed: int = 0) -> dict:
    key = jax.random.key(seed)
    ks = jax.random.split(key, 10)
    platform_id = jax.random.randint(ks[0], (B,), 0, NUM_PLATFORMS, dtype=jnp.int64 if jax.config.jax_enable_x64 else jnp.int32)
    industry_id = jax.random.randint(ks[1], (B,), 0, NUM_INDUSTRIES, dtype=jnp.int64 if jax.config.jax_enable_x64 else jnp.int32)
    cta_id = jax.random.randint(ks[2], (B,), 0, NUM_CTA, dtype=jnp.int64 if jax.config.jax_enable_x64 else jnp.int32)
    platform_table = jax.random.normal(ks[3], (NUM_PLATFORMS, 16), dtype=jnp.float32)
    industry_table = jax.random.normal(ks[4], (NUM_INDUSTRIES, 32), dtype=jnp.float32)
    cta_table = jax.random.normal(ks[5], (NUM_CTA, 16), dtype=jnp.float32)
    # Linear(64, 128): weight [128, 64] in torch convention; store as [64, 128] for x @ W
    W1 = jax.random.normal(ks[6], (64, 128), dtype=jnp.float32) * (1.0 / np.sqrt(64))
    b1 = jnp.zeros((128,), dtype=jnp.float32)
    W2 = jax.random.normal(ks[7], (128, 64), dtype=jnp.float32) * (1.0 / np.sqrt(128))
    b2 = jnp.zeros((64,), dtype=jnp.float32)
    return {
        "platform_id": platform_id,
        "industry_id": industry_id,
        "cta_id": cta_id,
        "platform_table": platform_table,
        "industry_table": industry_table,
        "cta_table": cta_table,
        "W1": W1, "b1": b1, "W2": W2, "b2": b2,
    }

def reference(platform_id, industry_id, cta_id, platform_table, industry_table, cta_table, W1, b1, W2, b2):
    # Embedding lookups (gather rows)
    p = jnp.take(platform_table, platform_id, axis=0)   # [B, 16]
    i = jnp.take(industry_table, industry_id, axis=0)   # [B, 32]
    c = jnp.take(cta_table, cta_id, axis=0)             # [B, 16]
    combined = jnp.concatenate([p, i, c], axis=-1)       # [B, 64]
    h = combined @ W1 + b1                               # Linear(64, 128)
    h = jax.nn.relu(h)
    # Dropout(0.1) is identity in eval mode
    out = h @ W2 + b2                                    # Linear(128, 64)
    return out

if __name__ == "__main__":
    import jax
    _d = setup_inputs()
    print(jax.jit(kernel)(*tuple(_d.values())))

</pallas_src>

<mosaic_0001>
#map = affine_map<(d0, d1) -> (0)>
#map1 = affine_map<(d0, d1) -> (0, 0)>
module attributes {stable_mosaic.version = 14 : i64} {
  func.func @sc_gather(%arg0: i32, %arg1: i32, %arg2: memref<16384xi32, #tpu.memory_space<hbm>>, %arg3: memref<16384xi32, #tpu.memory_space<hbm>>, %arg4: memref<16384xi32, #tpu.memory_space<hbm>>, %arg5: memref<5x16xf32, #tpu.memory_space<hbm>>, %arg6: memref<50x32xf32, #tpu.memory_space<hbm>>, %arg7: memref<20x16xf32, #tpu.memory_space<hbm>>, %arg8: memref<16384x64xf32, #tpu.memory_space<hbm>>, %arg9: memref<512xi32, #tpu.memory_space<vmem>>, %arg10: memref<512xi32, #tpu.memory_space<vmem>>, %arg11: memref<512xi32, #tpu.memory_space<vmem>>, %arg12: memref<5x16xf32, #tpu.memory_space<vmem>>, %arg13: memref<50x32xf32, #tpu.memory_space<vmem>>, %arg14: memref<20x16xf32, #tpu.memory_space<vmem>>, %arg15: memref<512x64xf32, #tpu.memory_space<vmem>>, %arg16: memref<!tpu.dma_semaphore, #tpu.memory_space<semaphore_mem>>) attributes {dimension_semantics = [#tpu.dimension_semantics<core_parallel>, #tpu.dimension_semantics<subcore_parallel>], iteration_bounds = array<i64: 2, 16>, scalar_prefetch = 0 : i64, scratch_operands = 8 : i64, tpu.core_type = #tpu.core_type<sc_vector_subcore>, window_params = [{transform_indices = #map}, {transform_indices = #map}, {transform_indices = #map}, {transform_indices = #map1}, {transform_indices = #map1}, {transform_indices = #map1}, {transform_indices = #map1}]} {
    %mul3A = arith.constant 2 : i32
    %mul3A_0 = arith.muli %arg1, %mul3A : i32
    %add3A = arith.addi %mul3A_0, %arg0 : i32
    %mul3A_1 = arith.constant 512 : i32
    %mul3A_2 = arith.muli %add3A, %mul3A_1 : i32
    "tpu.region"() ({
      %run_scoped3A = tpu.sem_alloc : memref<!tpu.dma_semaphore, #tpu.memory_space<semaphore_mem>>
      %dma_start3A = tpu.memref_slice %arg2[%mul3A_2] : memref<16384xi32, #tpu.memory_space<hbm>> -> memref<512xi32, #tpu.memory_space<hbm>>
      %dma_start3A_8 = tpu.memref_slice %arg2[%mul3A_2] : memref<16384xi32, #tpu.memory_space<hbm>> -> memref<512xi32, #tpu.memory_space<hbm>>
      tpu.enqueue_dma source(%dma_start3A_8 : memref<512xi32, #tpu.memory_space<hbm>>) target(%arg9 : memref<512xi32, #tpu.memory_space<vmem>>) target_semaphore(%run_scoped3A : memref<!tpu.dma_semaphore, #tpu.memory_space<semaphore_mem>>)
      %dma_wait3A = tpu.memref_slice %arg2[%mul3A_2] : memref<16384xi32, #tpu.memory_space<hbm>> -> memref<512xi32, #tpu.memory_space<hbm>>
      %dma_wait3A_9 = tpu.memref_slice %arg2[%mul3A_2] : memref<16384xi32, #tpu.memory_space<hbm>> -> memref<512xi32, #tpu.memory_space<hbm>>
      tpu.wait_dma2 semaphore(%run_scoped3A : memref<!tpu.dma_semaphore, #tpu.memory_space<semaphore_mem>>) src(%dma_wait3A_9 : memref<512xi32, #tpu.memory_space<hbm>>) dst(%arg9 : memref<512xi32, #tpu.memory_space<vmem>>)
      tpu.yield
    }) : () -> ()
    "tpu.region"() ({
      %run_scoped3A = tpu.sem_alloc : memref<!tpu.dma_semaphore, #tpu.memory_space<semaphore_mem>>
      %dma_start3A = tpu.memref_slice %arg3[%mul3A_2] : memref<16384xi32, #tpu.memory_space<hbm>> -> memref<512xi32, #tpu.memory_space<hbm>>
      %dma_start3A_8 = tpu.memref_slice %arg3[%mul3A_2] : memref<16384xi32, #tpu.memory_space<hbm>> -> memref<512xi32, #tpu.memory_space<hbm>>
      tpu.enqueue_dma source(%dma_start3A_8 : memref<512xi32, #tpu.memory_space<hbm>>) target(%arg10 : memref<512xi32, #tpu.memory_space<vmem>>) target_semaphore(%run_scoped3A : memref<!tpu.dma_semaphore, #tpu.memory_space<semaphore_mem>>)
      %dma_wait3A = tpu.memref_slice %arg3[%mul3A_2] : memref<16384xi32, #tpu.memory_space<hbm>> -> memref<512xi32, #tpu.memory_space<hbm>>
      %dma_wait3A_9 = tpu.memref_slice %arg3[%mul3A_2] : memref<16384xi32, #tpu.memory_space<hbm>> -> memref<512xi32, #tpu.memory_space<hbm>>
      tpu.wait_dma2 semaphore(%run_scoped3A : memref<!tpu.dma_semaphore, #tpu.memory_space<semaphore_mem>>) src(%dma_wait3A_9 : memref<512xi32, #tpu.memory_space<hbm>>) dst(%arg10 : memref<512xi32, #tpu.memory_space<vmem>>)
      tpu.yield
    }) : () -> ()
    "tpu.region"() ({
      %run_scoped3A = tpu.sem_alloc : memref<!tpu.dma_semaphore, #tpu.memory_space<semaphore_mem>>
      %dma_start3A = tpu.memref_slice %arg4[%mul3A_2] : memref<16384xi32, #tpu.memory_space<hbm>> -> memref<512xi32, #tpu.memory_space<hbm>>
      %dma_start3A_8 = tpu.memref_slice %arg4[%mul3A_2] : memref<16384xi32, #tpu.memory_space<hbm>> -> memref<512xi32, #tpu.memory_space<hbm>>
      tpu.enqueue_dma source(%dma_start3A_8 : memref<512xi32, #tpu.memory_space<hbm>>) target(%arg11 : memref<512xi32, #tpu.memory_space<vmem>>) target_semaphore(%run_scoped3A : memref<!tpu.dma_semaphore, #tpu.memory_space<semaphore_mem>>)
      %dma_wait3A = tpu.memref_slice %arg4[%mul3A_2] : memref<16384xi32, #tpu.memory_space<hbm>> -> memref<512xi32, #tpu.memory_space<hbm>>
      %dma_wait3A_9 = tpu.memref_slice %arg4[%mul3A_2] : memref<16384xi32, #tpu.memory_space<hbm>> -> memref<512xi32, #tpu.memory_space<hbm>>
      tpu.wait_dma2 semaphore(%run_scoped3A : memref<!tpu.dma_semaphore, #tpu.memory_space<semaphore_mem>>) src(%dma_wait3A_9 : memref<512xi32, #tpu.memory_space<hbm>>) dst(%arg11 : memref<512xi32, #tpu.memory_space<vmem>>)
      tpu.yield
    }) : () -> ()
    "tpu.region"() ({
      %run_scoped3A = tpu.sem_alloc : memref<!tpu.dma_semaphore, #tpu.memory_space<semaphore_mem>>
      tpu.enqueue_dma source(%arg5 : memref<5x16xf32, #tpu.memory_space<hbm>>) target(%arg12 : memref<5x16xf32, #tpu.memory_space<vmem>>) target_semaphore(%run_scoped3A : memref<!tpu.dma_semaphore, #tpu.memory_space<semaphore_mem>>)
      tpu.wait_dma2 semaphore(%run_scoped3A : memref<!tpu.dma_semaphore, #tpu.memory_space<semaphore_mem>>) src(%arg5 : memref<5x16xf32, #tpu.memory_space<hbm>>) dst(%arg12 : memref<5x16xf32, #tpu.memory_space<vmem>>)
      tpu.yield
    }) : () -> ()
    "tpu.region"() ({
      %run_scoped3A = tpu.sem_alloc : memref<!tpu.dma_semaphore, #tpu.memory_space<semaphore_mem>>
      tpu.enqueue_dma source(%arg6 : memref<50x32xf32, #tpu.memory_space<hbm>>) target(%arg13 : memref<50x32xf32, #tpu.memory_space<vmem>>) target_semaphore(%run_scoped3A : memref<!tpu.dma_semaphore, #tpu.memory_space<semaphore_mem>>)
      tpu.wait_dma2 semaphore(%run_scoped3A : memref<!tpu.dma_semaphore, #tpu.memory_space<semaphore_mem>>) src(%arg6 : memref<50x32xf32, #tpu.memory_space<hbm>>) dst(%arg13 : memref<50x32xf32, #tpu.memory_space<vmem>>)
      tpu.yield
    }) : () -> ()
    "tpu.region"() ({
      %run_scoped3A = tpu.sem_alloc : memref<!tpu.dma_semaphore, #tpu.memory_space<semaphore_mem>>
      tpu.enqueue_dma source(%arg7 : memref<20x16xf32, #tpu.memory_space<hbm>>) target(%arg14 : memref<20x16xf32, #tpu.memory_space<vmem>>) target_semaphore(%run_scoped3A : memref<!tpu.dma_semaphore, #tpu.memory_space<semaphore_mem>>)
      tpu.wait_dma2 semaphore(%run_scoped3A : memref<!tpu.dma_semaphore, #tpu.memory_space<semaphore_mem>>) src(%arg7 : memref<20x16xf32, #tpu.memory_space<hbm>>) dst(%arg14 : memref<20x16xf32, #tpu.memory_space<vmem>>)
      tpu.yield
    }) : () -> ()
    %iota3A = tpu.iota {dimensions = array<i32: 0>} : vector<16xi32>
    %scan3A = arith.constant 0 : i32
    %scan3A_3 = arith.constant 0 : i32
    %scan3A_4 = arith.constant 32 : i32
    %scan3A_5 = arith.addi %scan3A_3, %scan3A_4 : i32
    %scan3A_6 = arith.constant 1 : i32
    scf.for %scan3A_8 = %scan3A_3 to %scan3A_5 step %scan3A_6  : i32 {
      %mul3A_9 = arith.constant 16 : i32
      %mul3A_10 = arith.muli %scan3A_8, %mul3A_9 : i32
      %add3A_11 = vector.broadcast %mul3A_10 : i32 to vector<16xi32>
      %add3A_12 = arith.addi %iota3A, %add3A_11 : vector<16xi32>
      %get3A = arith.index_cast %mul3A_10 : i32 to index
      %get3A_13 = tpu.vector_load %arg9[%get3A] {strides = array<i32>} : memref<512xi32, #tpu.memory_space<vmem>>, vector<16xi32>,
      %get3A_14 = arith.index_cast %mul3A_10 : i32 to index
      %get3A_15 = tpu.vector_load %arg10[%get3A_14] {strides = array<i32>} : memref<512xi32, #tpu.memory_space<vmem>>, vector<16xi32>,
      %get3A_16 = arith.index_cast %mul3A_10 : i32 to index
      %get3A_17 = tpu.vector_load %arg11[%get3A_16] {strides = array<i32>} : memref<512xi32, #tpu.memory_space<vmem>>, vector<16xi32>,
      %broadcast_in_dim3A = arith.constant 0 : i32
      %broadcast_in_dim3A_18 = vector.broadcast %broadcast_in_dim3A : i32 to vector<16xi32>
      %gather3A = tpu.vector_load_idx %arg12[%get3A_13, %broadcast_in_dim3A_18] : memref<5x16xf32, #tpu.memory_space<vmem>>[vector<16xi32>, vector<16xi32>], vector<16xf32>,
      tpu.vector_store_idx %arg15[%add3A_12, %broadcast_in_dim3A_18], %gather3A : memref<512x64xf32, #tpu.memory_space<vmem>>[vector<16xi32>, vector<16xi32>], vector<16xf32>,
      %broadcast_in_dim3A_19 = arith.constant 1 : i32
      %broadcast_in_dim3A_20 = vector.broadcast %broadcast_in_dim3A_19 : i32 to vector<16xi32>
      %gather3A_21 = tpu.vector_load_idx %arg12[%get3A_13, %broadcast_in_dim3A_20] : memref<5x16xf32, #tpu.memory_space<vmem>>[vector<16xi32>, vector<16xi32>], vector<16xf32>,
      tpu.vector_store_idx %arg15[%add3A_12, %broadcast_in_dim3A_20], %gather3A_21 : memref<512x64xf32, #tpu.memory_space<vmem>>[vector<16xi32>, vector<16xi32>], vector<16xf32>,
      %broadcast_in_dim3A_22 = arith.constant 2 : i32
      %broadcast_in_dim3A_23 = vector.broadcast %broadcast_in_dim3A_22 : i32 to vector<16xi32>
      %gather3A_24 = tpu.vector_load_idx %arg12[%get3A_13, %broadcast_in_dim3A_23] : memref<5x16xf32, #tpu.memory_space<vmem>>[vector<16xi32>, vector<16xi32>], vector<16xf32>,
      tpu.vector_store_idx %arg15[%add3A_12, %broadcast_in_dim3A_23], %gather3A_24 : memref<512x64xf32, #tpu.memory_space<vmem>>[vector<16xi32>, vector<16xi32>], vector<16xf32>,
      %broadcast_in_dim3A_25 = arith.constant 3 : i32
      %broadcast_in_dim3A_26 = vector.broadcast %broadcast_in_dim3A_25 : i32 to vector<16xi32>
      %gather3A_27 = tpu.vector_load_idx %arg12[%get3A_13, %broadcast_in_dim3A_26] : memref<5x16xf32, #tpu.memory_space<vmem>>[vector<16xi32>, vector<16xi32>], vector<16xf32>,
      tpu.vector_store_idx %arg15[%add3A_12, %broadcast_in_dim3A_26], %gather3A_27 : memref<512x64xf32, #tpu.memory_space<vmem>>[vector<16xi32>, vector<16xi32>], vector<16xf32>,
      %broadcast_in_dim3A_28 = arith.constant 4 : i32
      %broadcast_in_dim3A_29 = vector.broadcast %broadcast_in_dim3A_28 : i32 to vector<16xi32>
      %gather3A_30 = tpu.vector_load_idx %arg12[%get3A_13, %broadcast_in_dim3A_29] : memref<5x16xf32, #tpu.memory_space<vmem>>[vector<16xi32>, vector<16xi32>], vector<16xf32>,
      tpu.vector_store_idx %arg15[%add3A_12, %broadcast_in_dim3A_29], %gather3A_30 : memref<512x64xf32, #tpu.memory_space<vmem>>[vector<16xi32>, vector<16xi32>], vector<16xf32>,
      %broadcast_in_dim3A_31 = arith.constant 5 : i32
      %broadcast_in_dim3A_32 = vector.broadcast %broadcast_in_dim3A_31 : i32 to vector<16xi32>
      %gather3A_33 = tpu.vector_load_idx %arg12[%get3A_13, %broadcast_in_dim3A_32] : memref<5x16xf32, #tpu.memory_space<vmem>>[vector<16xi32>, vector<16xi32>], vector<16xf32>,
      tpu.vector_store_idx %arg15[%add3A_12, %broadcast_in_dim3A_32], %gather3A_33 : memref<512x64xf32, #tpu.memory_space<vmem>>[vector<16xi32>, vector<16xi32>], vector<16xf32>,
      %broadcast_in_dim3A_34 = arith.constant 6 : i32
      %broadcast_in_dim3A_35 = vector.broadcast %broadcast_in_dim3A_34 : i32 to vector<16xi32>
      %gather3A_36 = tpu.vector_load_idx %arg12[%get3A_13, %broadcast_in_dim3A_35] : memref<5x16xf32, #tpu.memory_space<vmem>>[vector<16xi32>, vector<16xi32>], vector<16xf32>,
      tpu.vector_store_idx %arg15[%add3A_12, %broadcast_in_dim3A_35], %gather3A_36 : memref<512x64xf32, #tpu.memory_space<vmem>>[vector<16xi32>, vector<16xi32>], vector<16xf32>,
      %broadcast_in_dim3A_37 = arith.constant 7 : i32
      %broadcast_in_dim3A_38 = vector.broadcast %broadcast_in_dim3A_37 : i32 to vector<16xi32>
      %gather3A_39 = tpu.vector_load_idx %arg12[%get3A_13, %broadcast_in_dim3A_38] : memref<5x16xf32, #tpu.memory_space<vmem>>[vector<16xi32>, vector<16xi32>], vector<16xf32>,
      tpu.vector_store_idx %arg15[%add3A_12, %broadcast_in_dim3A_38], %gather3A_39 : memref<512x64xf32, #tpu.memory_space<vmem>>[vector<16xi32>, vector<16xi32>], vector<16xf32>,
      %broadcast_in_dim3A_40 = arith.constant 8 : i32
      %broadcast_in_dim3A_41 = vector.broadcast %broadcast_in_dim3A_40 : i32 to vector<16xi32>
      %gather3A_42 = tpu.vector_load_idx %arg12[%get3A_13, %broadcast_in_dim3A_41] : memref<5x16xf32, #tpu.memory_space<vmem>>[vector<16xi32>, vector<16xi32>], vector<16xf32>,
      tpu.vector_store_idx %arg15[%add3A_12, %broadcast_in_dim3A_41], %gather3A_42 : memref<512x64xf32, #tpu.memory_space<vmem>>[vector<16xi32>, vector<16xi32>], vector<16xf32>,
      %broadcast_in_dim3A_43 = arith.constant 9 : i32
      %broadcast_in_dim3A_44 = vector.broadcast %broadcast_in_dim3A_43 : i32 to vector<16xi32>
      %gather3A_45 = tpu.vector_load_idx %arg12[%get3A_13, %broadcast_in_dim3A_44] : memref<5x16xf32, #tpu.memory_space<vmem>>[vector<16xi32>, vector<16xi32>], vector<16xf32>,
      tpu.vector_store_idx %arg15[%add3A_12, %broadcast_in_dim3A_44], %gather3A_45 : memref<512x64xf32, #tpu.memory_space<vmem>>[vector<16xi32>, vector<16xi32>], vector<16xf32>,
      %broadcast_in_dim3A_46 = arith.constant 10 : i32
      %broadcast_in_dim3A_47 = vector.broadcast %broadcast_in_dim3A_46 : i32 to vector<16xi32>
      %gather3A_48 = tpu.vector_load_idx %arg12[%get3A_13, %broadcast_in_dim3A_47] : memref<5x16xf32, #tpu.memory_space<vmem>>[vector<16xi32>, vector<16xi32>], vector<16xf32>,
      tpu.vector_store_idx %arg15[%add3A_12, %broadcast_in_dim3A_47], %gather3A_48 : memref<512x64xf32, #tpu.memory_space<vmem>>[vector<16xi32>, vector<16xi32>], vector<16xf32>,
      %broadcast_in_dim3A_49 = arith.constant 11 : i32
      %broadcast_in_dim3A_50 = vector.broadcast %broadcast_in_dim3A_49 : i32 to vector<16xi32>
      %gather3A_51 = tpu.vector_load_idx %arg12[%get3A_13, %broadcast_in_dim3A_50] : memref<5x16xf32, #tpu.memory_space<vmem>>[vector<16xi32>, vector<16xi32>], vector<16xf32>,
      tpu.vector_store_idx %arg15[%add3A_12, %broadcast_in_dim3A_50], %gather3A_51 : memref<512x64xf32, #tpu.memory_space<vmem>>[vector<16xi32>, vector<16xi32>], vector<16xf32>,
      %broadcast_in_dim3A_52 = arith.constant 12 : i32
      %broadcast_in_dim3A_53 = vector.broadcast %broadcast_in_dim3A_52 : i32 to vector<16xi32>
      %gather3A_54 = tpu.vector_load_idx %arg12[%get3A_13, %broadcast_in_dim3A_53] : memref<5x16xf32, #tpu.memory_space<vmem>>[vector<16xi32>, vector<16xi32>], vector<16xf32>,
      tpu.vector_store_idx %arg15[%add3A_12, %broadcast_in_dim3A_53], %gather3A_54 : memref<512x64xf32, #tpu.memory_space<vmem>>[vector<16xi32>, vector<16xi32>], vector<16xf32>,
      %broadcast_in_dim3A_55 = arith.constant 13 : i32
      %broadcast_in_dim3A_56 = vector.broadcast %broadcast_in_dim3A_55 : i32 to vector<16xi32>
      %gather3A_57 = tpu.vector_load_idx %arg12[%get3A_13, %broadcast_in_dim3A_56] : memref<5x16xf32, #tpu.memory_space<vmem>>[vector<16xi32>, vector<16xi32>], vector<16xf32>,
      tpu.vector_store_idx %arg15[%add3A_12, %broadcast_in_dim3A_56], %gather3A_57 : memref<512x64xf32, #tpu.memory_space<vmem>>[vector<16xi32>, vector<16xi32>], vector<16xf32>,
      %broadcast_in_dim3A_58 = arith.constant 14 : i32
      %broadcast_in_dim3A_59 = vector.broadcast %broadcast_in_dim3A_58 : i32 to vector<16xi32>
      %gather3A_60 = tpu.vector_load_idx %arg12[%get3A_13, %broadcast_in_dim3A_59] : memref<5x16xf32, #tpu.memory_space<vmem>>[vector<16xi32>, vector<16xi32>], vector<16xf32>,
      tpu.vector_store_idx %arg15[%add3A_12, %broadcast_in_dim3A_59], %gather3A_60 : memref<512x64xf32, #tpu.memory_space<vmem>>[vector<16xi32>, vector<16xi32>], vector<16xf32>,
      %broadcast_in_dim3A_61 = arith.constant 15 : i32
      %broadcast_in_dim3A_62 = vector.broadcast %broadcast_in_dim3A_61 : i32 to vector<16xi32>
      %gather3A_63 = tpu.vector_load_idx %arg12[%get3A_13, %broadcast_in_dim3A_62] : memref<5x16xf32, #tpu.memory_space<vmem>>[vector<16xi32>, vector<16xi32>], vector<16xf32>,
      tpu.vector_store_idx %arg15[%add3A_12, %broadcast_in_dim3A_62], %gather3A_63 : memref<512x64xf32, #tpu.memory_space<vmem>>[vector<16xi32>, vector<16xi32>], vector<16xf32>,
      %broadcast_in_dim3A_64 = arith.constant 0 : i32
      %broadcast_in_dim3A_65 = vector.broadcast %broadcast_in_dim3A_64 : i32 to vector<16xi32>
      %gather3A_66 = tpu.vector_load_idx %arg13[%get3A_15, %broadcast_in_dim3A_65] : memref<50x32xf32, #tpu.memory_space<vmem>>[vector<16xi32>, vector<16xi32>], vector<16xf32>,
      %add3A_67 = arith.constant 16 : i32
      %add3A_68 = vector.broadcast %add3A_67 : i32 to vector<16xi32>
      %add3A_69 = arith.addi %broadcast_in_dim3A_65, %add3A_68 : vector<16xi32>
      tpu.vector_store_idx %arg15[%add3A_12, %add3A_69], %gather3A_66 : memref<512x64xf32, #tpu.memory_space<vmem>>[vector<16xi32>, vector<16xi32>], vector<16xf32>,
      %broadcast_in_dim3A_70 = arith.constant 1 : i32
      %broadcast_in_dim3A_71 = vector.broadcast %broadcast_in_dim3A_70 : i32 to vector<16xi32>
      %gather3A_72 = tpu.vector_load_idx %arg13[%get3A_15, %broadcast_in_dim3A_71] : memref<50x32xf32, #tpu.memory_space<vmem>>[vector<16xi32>, vector<16xi32>], vector<16xf32>,
      %add3A_73 = arith.constant 16 : i32
      %add3A_74 = vector.broadcast %add3A_73 : i32 to vector<16xi32>
      %add3A_75 = arith.addi %broadcast_in_dim3A_71, %add3A_74 : vector<16xi32>
      tpu.vector_store_idx %arg15[%add3A_12, %add3A_75], %gather3A_72 : memref<512x64xf32, #tpu.memory_space<vmem>>[vector<16xi32>, vector<16xi32>], vector<16xf32>,
      %broadcast_in_dim3A_76 = arith.constant 2 : i32
      %broadcast_in_dim3A_77 = vector.broadcast %broadcast_in_dim3A_76 : i32 to vector<16xi32>
      %gather3A_78 = tpu.vector_load_idx %arg13[%get3A_15, %broadcast_in_dim3A_77] : memref<50x32xf32, #tpu.memory_space<vmem>>[vector<16xi32>, vector<16xi32>], vector<16xf32>,
      %add3A_79 = arith.constant 16 : i32
      %add3A_80 = vector.broadcast %add3A_79 : i32 to vector<16xi32>
      %add3A_81 = arith.addi %broadcast_in_dim3A_77, %add3A_80 : vector<16xi32>
      tpu.vector_store_idx %arg15[%add3A_12, %add3A_81], %gather3A_78 : memref<512x64xf32, #tpu.memory_space<vmem>>[vector<16xi32>, vector<16xi32>], vector<16xf32>,
      %broadcast_in_dim3A_82 = arith.constant 3 : i32
      %broadcast_in_dim3A_83 = vector.broadcast %broadcast_in_dim3A_82 : i32 to vector<16xi32>
      %gather3A_84 = tpu.vector_load_idx %arg13[%get3A_15, %broadcast_in_dim3A_83] : memref<50x32xf32, #tpu.memory_space<vmem>>[vector<16xi32>, vector<16xi32>], vector<16xf32>,
      %add3A_85 = arith.constant 16 : i32
      %add3A_86 = vector.broadcast %add3A_85 : i32 to vector<16xi32>
      %add3A_87 = arith.addi %broadcast_in_dim3A_83, %add3A_86 : vector<16xi32>
      tpu.vector_store_idx %arg15[%add3A_12, %add3A_87], %gather3A_84 : memref<512x64xf32, #tpu.memory_space<vmem>>[vector<16xi32>, vector<16xi32>], vector<16xf32>,
      %broadcast_in_dim3A_88 = arith.constant 4 : i32
      %broadcast_in_dim3A_89 = vector.broadcast %broadcast_in_dim3A_88 : i32 to vector<16xi32>
      %gather3A_90 = tpu.vector_load_idx %arg13[%get3A_15, %broadcast_in_dim3A_89] : memref<50x32xf32, #tpu.memory_space<vmem>>[vector<16xi32>, vector<16xi32>], vector<16xf32>,
      %add3A_91 = arith.constant 16 : i32
      %add3A_92 = vector.broadcast %add3A_91 : i32 to vector<16xi32>
      %add3A_93 = arith.addi %broadcast_in_dim3A_89, %add3A_92 : vector<16xi32>
      tpu.vector_store_idx %arg15[%add3A_12, %add3A_93], %gather3A_90 : memref<512x64xf32, #tpu.memory_space<vmem>>[vector<16xi32>, vector<16xi32>], vector<16xf32>,
      %broadcast_in_dim3A_94 = arith.constant 5 : i32
      %broadcast_in_dim3A_95 = vector.broadcast %broadcast_in_dim3A_94 : i32 to vector<16xi32>
      %gather3A_96 = tpu.vector_load_idx %arg13[%get3A_15, %broadcast_in_dim3A_95] : memref<50x32xf32, #tpu.memory_space<vmem>>[vector<16xi32>, vector<16xi32>], vector<16xf32>,
      %add3A_97 = arith.constant 16 : i32
      %add3A_98 = vector.broadcast %add3A_97 : i32 to vector<16xi32>
      %add3A_99 = arith.addi %broadcast_in_dim3A_95, %add3A_98 : vector<16xi32>
      tpu.vector_store_idx %arg15[%add3A_12, %add3A_99], %gather3A_96 : memref<512x64xf32, #tpu.memory_space<vmem>>[vector<16xi32>, vector<16xi32>], vector<16xf32>,
      %broadcast_in_dim3A_100 = arith.constant 6 : i32
      %broadcast_in_dim3A_101 = vector.broadcast %broadcast_in_dim3A_100 : i32 to vector<16xi32>
      %gather3A_102 = tpu.vector_load_idx %arg13[%get3A_15, %broadcast_in_dim3A_101] : memref<50x32xf32, #tpu.memory_space<vmem>>[vector<16xi32>, vector<16xi32>], vector<16xf32>,
      %add3A_103 = arith.constant 16 : i32
      %add3A_104 = vector.broadcast %add3A_103 : i32 to vector<16xi32>
      %add3A_105 = arith.addi %broadcast_in_dim3A_101, %add3A_104 : vector<16xi32>
      tpu.vector_store_idx %arg15[%add3A_12, %add3A_105], %gather3A_102 : memref<512x64xf32, #tpu.memory_space<vmem>>[vector<16xi32>, vector<16xi32>], vector<16xf32>,
      %broadcast_in_dim3A_106 = arith.constant 7 : i32
      %broadcast_in_dim3A_107 = vector.broadcast %broadcast_in_dim3A_106 : i32 to vector<16xi32>
      %gather3A_108 = tpu.vector_load_idx %arg13[%get3A_15, %broadcast_in_dim3A_107] : memref<50x32xf32, #tpu.memory_space<vmem>>[vector<16xi32>, vector<16xi32>], vector<16xf32>,
      %add3A_109 = arith.constant 16 : i32
      %add3A_110 = vector.broadcast %add3A_109 : i32 to vector<16xi32>
      %add3A_111 = arith.addi %broadcast_in_dim3A_107, %add3A_110 : vector<16xi32>
      tpu.vector_store_idx %arg15[%add3A_12, %add3A_111], %gather3A_108 : memref<512x64xf32, #tpu.memory_space<vmem>>[vector<16xi32>, vector<16xi32>], vector<16xf32>,
      %broadcast_in_dim3A_112 = arith.constant 8 : i32
      %broadcast_in_dim3A_113 = vector.broadcast %broadcast_in_dim3A_112 : i32 to vector<16xi32>
      %gather3A_114 = tpu.vector_load_idx %arg13[%get3A_15, %broadcast_in_dim3A_113] : memref<50x32xf32, #tpu.memory_space<vmem>>[vector<16xi32>, vector<16xi32>], vector<16xf32>,
      %add3A_115 = arith.constant 16 : i32
      %add3A_116 = vector.broadcast %add3A_115 : i32 to vector<16xi32>
      %add3A_117 = arith.addi %broadcast_in_dim3A_113, %add3A_116 : vector<16xi32>
      tpu.vector_store_idx %arg15[%add3A_12, %add3A_117], %gather3A_114 : memref<512x64xf32, #tpu.memory_space<vmem>>[vector<16xi32>, vector<16xi32>], vector<16xf32>,
      %broadcast_in_dim3A_118 = arith.constant 9 : i32
      %broadcast_in_dim3A_119 = vector.broadcast %broadcast_in_dim3A_118 : i32 to vector<16xi32>
      %gather3A_120 = tpu.vector_load_idx %arg13[%get3A_15, %broadcast_in_dim3A_119] : memref<50x32xf32, #tpu.memory_space<vmem>>[vector<16xi32>, vector<16xi32>], vector<16xf32>,
      %add3A_121 = arith.constant 16 : i32
      %add3A_122 = vector.broadcast %add3A_121 : i32 to vector<16xi32>
      %add3A_123 = arith.addi %broadcast_in_dim3A_119, %add3A_122 : vector<16xi32>
      tpu.vector_store_idx %arg15[%add3A_12, %add3A_123], %gather3A_120 : memref<512x64xf32, #tpu.memory_space<vmem>>[vector<16xi32>, vector<16xi32>], vector<16xf32>,
      %broadcast_in_dim3A_124 = arith.constant 10 : i32
      %broadcast_in_dim3A_125 = vector.broadcast %broadcast_in_dim3A_124 : i32 to vector<16xi32>
      %gather3A_126 = tpu.vector_load_idx %arg13[%get3A_15, %broadcast_in_dim3A_125] : memref<50x32xf32, #tpu.memory_space<vmem>>[vector<16xi32>, vector<16xi32>], vector<16xf32>,
      %add3A_127 = arith.constant 16 : i32
      %add3A_128 = vector.broadcast %add3A_127 : i32 to vector<16xi32>
      %add3A_129 = arith.addi %broadcast_in_dim3A_125, %add3A_128 : vector<16xi32>
      tpu.vector_store_idx %arg15[%add3A_12, %add3A_129], %gather3A_126 : memref<512x64xf32, #tpu.memory_space<vmem>>[vector<16xi32>, vector<16xi32>], vector<16xf32>,
      %broadcast_in_dim3A_130 = arith.constant 11 : i32
      %broadcast_in_dim3A_131 = vector.broadcast %broadcast_in_dim3A_130 : i32 to vector<16xi32>
      %gather3A_132 = tpu.vector_load_idx %arg13[%get3A_15, %broadcast_in_dim3A_131] : memref<50x32xf32, #tpu.memory_space<vmem>>[vector<16xi32>, vector<16xi32>], vector<16xf32>,
      %add3A_133 = arith.constant 16 : i32
      %add3A_134 = vector.broadcast %add3A_133 : i32 to vector<16xi32>
      %add3A_135 = arith.addi %broadcast_in_dim3A_131, %add3A_134 : vector<16xi32>
      tpu.vector_store_idx %arg15[%add3A_12, %add3A_135], %gather3A_132 : memref<512x64xf32, #tpu.memory_space<vmem>>[vector<16xi32>, vector<16xi32>], vector<16xf32>,
      %broadcast_in_dim3A_136 = arith.constant 12 : i32
      %broadcast_in_dim3A_137 = vector.broadcast %broadcast_in_dim3A_136 : i32 to vector<16xi32>
      %gather3A_138 = tpu.vector_load_idx %arg13[%get3A_15, %broadcast_in_dim3A_137] : memref<50x32xf32, #tpu.memory_space<vmem>>[vector<16xi32>, vector<16xi32>], vector<16xf32>,
      %add3A_139 = arith.constant 16 : i32
      %add3A_140 = vector.broadcast %add3A_139 : i32 to vector<16xi32>
      %add3A_141 = arith.addi %broadcast_in_dim3A_137, %add3A_140 : vector<16xi32>
      tpu.vector_store_idx %arg15[%add3A_12, %add3A_141], %gather3A_138 : memref<512x64xf32, #tpu.memory_space<vmem>>[vector<16xi32>, vector<16xi32>], vector<16xf32>,
      %broadcast_in_dim3A_142 = arith.constant 13 : i32
      %broadcast_in_dim3A_143 = vector.broadcast %broadcast_in_dim3A_142 : i32 to vector<16xi32>
      %gather3A_144 = tpu.vector_load_idx %arg13[%get3A_15, %broadcast_in_dim3A_143] : memref<50x32xf32, #tpu.memory_space<vmem>>[vector<16xi32>, vector<16xi32>], vector<16xf32>,
      %add3A_145 = arith.constant 16 : i32
      %add3A_146 = vector.broadcast %add3A_145 : i32 to vector<16xi32>
      %add3A_147 = arith.addi %broadcast_in_dim3A_143, %add3A_146 : vector<16xi32>
      tpu.vector_store_idx %arg15[%add3A_12, %add3A_147], %gather3A_144 : memref<512x64xf32, #tpu.memory_space<vmem>>[vector<16xi32>, vector<16xi32>], vector<16xf32>,
      %broadcast_in_dim3A_148 = arith.constant 14 : i32
      %broadcast_in_dim3A_149 = vector.broadcast %broadcast_in_dim3A_148 : i32 to vector<16xi32>
      %gather3A_150 = tpu.vector_load_idx %arg13[%get3A_15, %broadcast_in_dim3A_149] : memref<50x32xf32, #tpu.memory_space<vmem>>[vector<16xi32>, vector<16xi32>], vector<16xf32>,
      %add3A_151 = arith.constant 16 : i32
      %add3A_152 = vector.broadcast %add3A_151 : i32 to vector<16xi32>
      %add3A_153 = arith.addi %broadcast_in_dim3A_149, %add3A_152 : vector<16xi32>
      tpu.vector_store_idx %arg15[%add3A_12, %add3A_153], %gather3A_150 : memref<512x64xf32, #tpu.memory_space<vmem>>[vector<16xi32>, vector<16xi32>], vector<16xf32>,
      %broadcast_in_dim3A_154 = arith.constant 15 : i32
      %broadcast_in_dim3A_155 = vector.broadcast %broadcast_in_dim3A_154 : i32 to vector<16xi32>
      %gather3A_156 = tpu.vector_load_idx %arg13[%get3A_15, %broadcast_in_dim3A_155] : memref<50x32xf32, #tpu.memory_space<vmem>>[vector<16xi32>, vector<16xi32>], vector<16xf32>,
      %add3A_157 = arith.constant 16 : i32
      %add3A_158 = vector.broadcast %add3A_157 : i32 to vector<16xi32>
      %add3A_159 = arith.addi %broadcast_in_dim3A_155, %add3A_158 : vector<16xi32>
      tpu.vector_store_idx %arg15[%add3A_12, %add3A_159], %gather3A_156 : memref<512x64xf32, #tpu.memory_space<vmem>>[vector<16xi32>, vector<16xi32>], vector<16xf32>,
      %broadcast_in_dim3A_160 = arith.constant 16 : i32
      %broadcast_in_dim3A_161 = vector.broadcast %broadcast_in_dim3A_160 : i32 to vector<16xi32>
      %gather3A_162 = tpu.vector_load_idx %arg13[%get3A_15, %broadcast_in_dim3A_161] : memref<50x32xf32, #tpu.memory_space<vmem>>[vector<16xi32>, vector<16xi32>], vector<16xf32>,
      %add3A_163 = arith.constant 16 : i32
      %add3A_164 = vector.broadcast %add3A_163 : i32 to vector<16xi32>
      %add3A_165 = arith.addi %broadcast_in_dim3A_161, %add3A_164 : vector<16xi32>
      tpu.vector_store_idx %arg15[%add3A_12, %add3A_165], %gather3A_162 : memref<512x64xf32, #tpu.memory_space<vmem>>[vector<16xi32>, vector<16xi32>], vector<16xf32>,
      %broadcast_in_dim3A_166 = arith.constant 17 : i32
      %broadcast_in_dim3A_167 = vector.broadcast %broadcast_in_dim3A_166 : i32 to vector<16xi32>
      %gather3A_168 = tpu.vector_load_idx %arg13[%get3A_15, %broadcast_in_dim3A_167] : memref<50x32xf32, #tpu.memory_space<vmem>>[vector<16xi32>, vector<16xi32>], vector<16xf32>,
      %add3A_169 = arith.constant 16 : i32
      %add3A_170 = vector.broadcast %add3A_169 : i32 to vector<16xi32>
      %add3A_171 = arith.addi %broadcast_in_dim3A_167, %add3A_170 : vector<16xi32>
      tpu.vector_store_idx %arg15[%add3A_12, %add3A_171], %gather3A_168 : memref<512x64xf32, #tpu.memory_space<vmem>>[vector<16xi32>, vector<16xi32>], vector<16xf32>,
      %broadcast_in_dim3A_172 = arith.constant 18 : i32
      %broadcast_in_dim3A_173 = vector.broadcast %broadcast_in_dim3A_172 : i32 to vector<16xi32>
      %gather3A_174 = tpu.vector_load_idx %arg13[%get3A_15, %broadcast_in_dim3A_173] : memref<50x32xf32, #tpu.memory_space<vmem>>[vector<16xi32>, vector<16xi32>], vector<16xf32>,
      %add3A_175 = arith.constant 16 : i32
      %add3A_176 = vector.broadcast %add3A_175 : i32 to vector<16xi32>
      %add3A_177 = arith.addi %broadcast_in_dim3A_173, %add3A_176 : vector<16xi32>
      tpu.vector_store_idx %arg15[%add3A_12, %add3A_177], %gather3A_174 : memref<512x64xf32, #tpu.memory_space<vmem>>[vector<16xi32>, vector<16xi32>], vector<16xf32>,
      %broadcast_in_dim3A_178 = arith.constant 19 : i32
      %broadcast_in_dim3A_179 = vector.broadcast %broadcast_in_dim3A_178 : i32 to vector<16xi32>
      %gather3A_180 = tpu.vector_load_idx %arg13[%get3A_15, %broadcast_in_dim3A_179] : memref<50x32xf32, #tpu.memory_space<vmem>>[vector<16xi32>, vector<16xi32>], vector<16xf32>,
      %add3A_181 = arith.constant 16 : i32
      %add3A_182 = vector.broadcast %add3A_181 : i32 to vector<16xi32>
      %add3A_183 = arith.addi %broadcast_in_dim3A_179, %add3A_182 : vector<16xi32>
      tpu.vector_store_idx %arg15[%add3A_12, %add3A_183], %gather3A_180 : memref<512x64xf32, #tpu.memory_space<vmem>>[vector<16xi32>, vector<16xi32>], vector<16xf32>,
      %broadcast_in_dim3A_184 = arith.constant 20 : i32
      %broadcast_in_dim3A_185 = vector.broadcast %broadcast_in_dim3A_184 : i32 to vector<16xi32>
      %gather3A_186 = tpu.vector_load_idx %arg13[%get3A_15, %broadcast_in_dim3A_185] : memref<50x32xf32, #tpu.memory_space<vmem>>[vector<16xi32>, vector<16xi32>], vector<16xf32>,
      %add3A_187 = arith.constant 16 : i32
      %add3A_188 = vector.broadcast %add3A_187 : i32 to vector<16xi32>
      %add3A_189 = arith.addi %broadcast_in_dim3A_185, %add3A_188 : vector<16xi32>
      tpu.vector_store_idx %arg15[%add3A_12, %add3A_189], %gather3A_186 : memref<512x64xf32, #tpu.memory_space<vmem>>[vector<16xi32>, vector<16xi32>], vector<16xf32>,
      %broadcast_in_dim3A_190 = arith.constant 21 : i32
      %broadcast_in_dim3A_191 = vector.broadcast %broadcast_in_dim3A_190 : i32 to vector<16xi32>
      %gather3A_192 = tpu.vector_load_idx %arg13[%get3A_15, %broadcast_in_dim3A_191] : memref<50x32xf32, #tpu.memory_space<vmem>>[vector<16xi32>, vector<16xi32>], vector<16xf32>,
      %add3A_193 = arith.constant 16 : i32
      %add3A_194 = vector.broadcast %add3A_193 : i32 to vector<16xi32>
      %add3A_195 = arith.addi %broadcast_in_dim3A_191, %add3A_194 : vector<16xi32>
      tpu.vector_store_idx %arg15[%add3A_12, %add3A_195], %gather3A_192 : memref<512x64xf32, #tpu.memory_space<vmem>>[vector<16xi32>, vector<16xi32>], vector<16xf32>,
      %broadcast_in_dim3A_196 = arith.constant 22 : i32
      %broadcast_in_dim3A_197 = vector.broadcast %broadcast_in_dim3A_196 : i32 to vector<16xi32>
      %gather3A_198 = tpu.vector_load_idx %arg13[%get3A_15, %broadcast_in_dim3A_197] : memref<50x32xf32, #tpu.memory_space<vmem>>[vector<16xi32>, vector<16xi32>], vector<16xf32>,
      %add3A_199 = arith.constant 16 : i32
      %add3A_200 = vector.broadcast %add3A_199 : i32 to vector<16xi32>
      %add3A_201 = arith.addi %broadcast_in_dim3A_197, %add3A_200 : vector<16xi32>
      tpu.vector_store_idx %arg15[%add3A_12, %add3A_201], %gather3A_198 : memref<512x64xf32, #tpu.memory_space<vmem>>[vector<16xi32>, vector<16xi32>], vector<16xf32>,
      %broadcast_in_dim3A_202 = arith.constant 23 : i32
      %broadcast_in_dim3A_203 = vector.broadcast %broadcast_in_dim3A_202 : i32 to vector<16xi32>
      %gather3A_204 = tpu.vector_load_idx %arg13[%get3A_15, %broadcast_in_dim3A_203] : memref<50x32xf32, #tpu.memory_space<vmem>>[vector<16xi32>, vector<16xi32>], vector<16xf32>,
      %add3A_205 = arith.constant 16 : i32
      %add3A_206 = vector.broadcast %add3A_205 : i32 to vector<16xi32>
      %add3A_207 = arith.addi %broadcast_in_dim3A_203, %add3A_206 : vector<16xi32>
      tpu.vector_store_idx %arg15[%add3A_12, %add3A_207], %gather3A_204 : memref<512x64xf32, #tpu.memory_space<vmem>>[vector<16xi32>, vector<16xi32>], vector<16xf32>,
      %broadcast_in_dim3A_208 = arith.constant 24 : i32
      %broadcast_in_dim3A_209 = vector.broadcast %broadcast_in_dim3A_208 : i32 to vector<16xi32>
      %gather3A_210 = tpu.vector_load_idx %arg13[%get3A_15, %broadcast_in_dim3A_209] : memref<50x32xf32, #tpu.memory_space<vmem>>[vector<16xi32>, vector<16xi32>], vector<16xf32>,
      %add3A_211 = arith.constant 16 : i32
      %add3A_212 = vector.broadcast %add3A_211 : i32 to vector<16xi32>
      %add3A_213 = arith.addi %broadcast_in_dim3A_209, %add3A_212 : vector<16xi32>
      tpu.vector_store_idx %arg15[%add3A_12, %add3A_213], %gather3A_210 : memref<512x64xf32, #tpu.memory_space<vmem>>[vector<16xi32>, vector<16xi32>], vector<16xf32>,
      %broadcast_in_dim3A_214 = arith.constant 25 : i32
      %broadcast_in_dim3A_215 = vector.broadcast %broadcast_in_dim3A_214 : i32 to vector<16xi32>
      %gather3A_216 = tpu.vector_load_idx %arg13[%get3A_15, %broadcast_in_dim3A_215] : memref<50x32xf32, #tpu.memory_space<vmem>>[vector<16xi32>, vector<16xi32>], vector<16xf32>,
      %add3A_217 = arith.constant 16 : i32
      %add3A_218 = vector.broadcast %add3A_217 : i32 to vector<16xi32>
      %add3A_219 = arith.addi %broadcast_in_dim3A_215, %add3A_218 : vector<16xi32>
      tpu.vector_store_idx %arg15[%add3A_12, %add3A_219], %gather3A_216 : memref<512x64xf32, #tpu.memory_space<vmem>>[vector<16xi32>, vector<16xi32>], vector<16xf32>,
      %broadcast_in_dim3A_220 = arith.constant 26 : i32
      %broadcast_in_dim3A_221 = vector.broadcast %broadcast_in_dim3A_220 : i32 to vector<16xi32>
      %gather3A_222 = tpu.vector_load_idx %arg13[%get3A_15, %broadcast_in_dim3A_221] : memref<50x32xf32, #tpu.memory_space<vmem>>[vector<16xi32>, vector<16xi32>], vector<16xf32>,
      %add3A_223 = arith.constant 16 : i32
      %add3A_224 = vector.broadcast %add3A_223 : i32 to vector<16xi32>
      %add3A_225 = arith.addi %broadcast_in_dim3A_221, %add3A_224 : vector<16xi32>
      tpu.vector_store_idx %arg15[%add3A_12, %add3A_225], %gather3A_222 : memref<512x64xf32, #tpu.memory_space<vmem>>[vector<16xi32>, vector<16xi32>], vector<16xf32>,
      %broadcast_in_dim3A_226 = arith.constant 27 : i32
      %broadcast_in_dim3A_227 = vector.broadcast %broadcast_in_dim3A_226 : i32 to vector<16xi32>
      %gather3A_228 = tpu.vector_load_idx %arg13[%get3A_15, %broadcast_in_dim3A_227] : memref<50x32xf32, #tpu.memory_space<vmem>>[vector<16xi32>, vector<16xi32>], vector<16xf32>,
      %add3A_229 = arith.constant 16 : i32
      %add3A_230 = vector.broadcast %add3A_229 : i32 to vector<16xi32>
      %add3A_231 = arith.addi %broadcast_in_dim3A_227, %add3A_230 : vector<16xi32>
      tpu.vector_store_idx %arg15[%add3A_12, %add3A_231], %gather3A_228 : memref<512x64xf32, #tpu.memory_space<vmem>>[vector<16xi32>, vector<16xi32>], vector<16xf32>,
      %broadcast_in_dim3A_232 = arith.constant 28 : i32
      %broadcast_in_dim3A_233 = vector.broadcast %broadcast_in_dim3A_232 : i32 to vector<16xi32>
      %gather3A_234 = tpu.vector_load_idx %arg13[%get3A_15, %broadcast_in_dim3A_233] : memref<50x32xf32, #tpu.memory_space<vmem>>[vector<16xi32>, vector<16xi32>], vector<16xf32>,
      %add3A_235 = arith.constant 16 : i32
      %add3A_236 = vector.broadcast %add3A_235 : i32 to vector<16xi32>
      %add3A_237 = arith.addi %broadcast_in_dim3A_233, %add3A_236 : vector<16xi32>
      tpu.vector_store_idx %arg15[%add3A_12, %add3A_237], %gather3A_234 : memref<512x64xf32, #tpu.memory_space<vmem>>[vector<16xi32>, vector<16xi32>], vector<16xf32>,
      %broadcast_in_dim3A_238 = arith.constant 29 : i32
      %broadcast_in_dim3A_239 = vector.broadcast %broadcast_in_dim3A_238 : i32 to vector<16xi32>
      %gather3A_240 = tpu.vector_load_idx %arg13[%get3A_15, %broadcast_in_dim3A_239] : memref<50x32xf32, #tpu.memory_space<vmem>>[vector<16xi32>, vector<16xi32>], vector<16xf32>,
      %add3A_241 = arith.constant 16 : i32
      %add3A_242 = vector.broadcast %add3A_241 : i32 to vector<16xi32>
      %add3A_243 = arith.addi %broadcast_in_dim3A_239, %add3A_242 : vector<16xi32>
      tpu.vector_store_idx %arg15[%add3A_12, %add3A_243], %gather3A_240 : memref<512x64xf32, #tpu.memory_space<vmem>>[vector<16xi32>, vector<16xi32>], vector<16xf32>,
      %broadcast_in_dim3A_244 = arith.constant 30 : i32
      %broadcast_in_dim3A_245 = vector.broadcast %broadcast_in_dim3A_244 : i32 to vector<16xi32>
      %gather3A_246 = tpu.vector_load_idx %arg13[%get3A_15, %broadcast_in_dim3A_245] : memref<50x32xf32, #tpu.memory_space<vmem>>[vector<16xi32>, vector<16xi32>], vector<16xf32>,
      %add3A_247 = arith.constant 16 : i32
      %add3A_248 = vector.broadcast %add3A_247 : i32 to vector<16xi32>
      %add3A_249 = arith.addi %broadcast_in_dim3A_245, %add3A_248 : vector<16xi32>
      tpu.vector_store_idx %arg15[%add3A_12, %add3A_249], %gather3A_246 : memref<512x64xf32, #tpu.memory_space<vmem>>[vector<16xi32>, vector<16xi32>], vector<16xf32>,
      %broadcast_in_dim3A_250 = arith.constant 31 : i32
      %broadcast_in_dim3A_251 = vector.broadcast %broadcast_in_dim3A_250 : i32 to vector<16xi32>
      %gather3A_252 = tpu.vector_load_idx %arg13[%get3A_15, %broadcast_in_dim3A_251] : memref<50x32xf32, #tpu.memory_space<vmem>>[vector<16xi32>, vector<16xi32>], vector<16xf32>,
      %add3A_253 = arith.constant 16 : i32
      %add3A_254 = vector.broadcast %add3A_253 : i32 to vector<16xi32>
      %add3A_255 = arith.addi %broadcast_in_dim3A_251, %add3A_254 : vector<16xi32>
      tpu.vector_store_idx %arg15[%add3A_12, %add3A_255], %gather3A_252 : memref<512x64xf32, #tpu.memory_space<vmem>>[vector<16xi32>, vector<16xi32>], vector<16xf32>,
      %broadcast_in_dim3A_256 = arith.constant 0 : i32
      %broadcast_in_dim3A_257 = vector.broadcast %broadcast_in_dim3A_256 : i32 to vector<16xi32>
      %gather3A_258 = tpu.vector_load_idx %arg14[%get3A_17, %broadcast_in_dim3A_257] : memref<20x16xf32, #tpu.memory_space<vmem>>[vector<16xi32>, vector<16xi32>], vector<16xf32>,
      %add3A_259 = arith.constant 48 : i32
      %add3A_260 = vector.broadcast %add3A_259 : i32 to vector<16xi32>
      %add3A_261 = arith.addi %broadcast_in_dim3A_257, %add3A_260 : vector<16xi32>
      tpu.vector_store_idx %arg15[%add3A_12, %add3A_261], %gather3A_258 : memref<512x64xf32, #tpu.memory_space<vmem>>[vector<16xi32>, vector<16xi32>], vector<16xf32>,
      %broadcast_in_dim3A_262 = arith.constant 1 : i32
      %broadcast_in_dim3A_263 = vector.broadcast %broadcast_in_dim3A_262 : i32 to vector<16xi32>
      %gather3A_264 = tpu.vector_load_idx %arg14[%get3A_17, %broadcast_in_dim3A_263] : memref<20x16xf32, #tpu.memory_space<vmem>>[vector<16xi32>, vector<16xi32>], vector<16xf32>,
      %add3A_265 = arith.constant 48 : i32
      %add3A_266 = vector.broadcast %add3A_265 : i32 to vector<16xi32>
      %add3A_267 = arith.addi %broadcast_in_dim3A_263, %add3A_266 : vector<16xi32>
      tpu.vector_store_idx %arg15[%add3A_12, %add3A_267], %gather3A_264 : memref<512x64xf32, #tpu.memory_space<vmem>>[vector<16xi32>, vector<16xi32>], vector<16xf32>,
      %broadcast_in_dim3A_268 = arith.constant 2 : i32
      %broadcast_in_dim3A_269 = vector.broadcast %broadcast_in_dim3A_268 : i32 to vector<16xi32>
      %gather3A_270 = tpu.vector_load_idx %arg14[%get3A_17, %broadcast_in_dim3A_269] : memref<20x16xf32, #tpu.memory_space<vmem>>[vector<16xi32>, vector<16xi32>], vector<16xf32>,
      %add3A_271 = arith.constant 48 : i32
      %add3A_272 = vector.broadcast %add3A_271 : i32 to vector<16xi32>
      %add3A_273 = arith.addi %broadcast_in_dim3A_269, %add3A_272 : vector<16xi32>
      tpu.vector_store_idx %arg15[%add3A_12, %add3A_273], %gather3A_270 : memref<512x64xf32, #tpu.memory_space<vmem>>[vector<16xi32>, vector<16xi32>], vector<16xf32>,
      %broadcast_in_dim3A_274 = arith.constant 3 : i32
      %broadcast_in_dim3A_275 = vector.broadcast %broadcast_in_dim3A_274 : i32 to vector<16xi32>
      %gather3A_276 = tpu.vector_load_idx %arg14[%get3A_17, %broadcast_in_dim3A_275] : memref<20x16xf32, #tpu.memory_space<vmem>>[vector<16xi32>, vector<16xi32>], vector<16xf32>,
      %add3A_277 = arith.constant 48 : i32
      %add3A_278 = vector.broadcast %add3A_277 : i32 to vector<16xi32>
      %add3A_279 = arith.addi %broadcast_in_dim3A_275, %add3A_278 : vector<16xi32>
      tpu.vector_store_idx %arg15[%add3A_12, %add3A_279], %gather3A_276 : memref<512x64xf32, #tpu.memory_space<vmem>>[vector<16xi32>, vector<16xi32>], vector<16xf32>,
      %broadcast_in_dim3A_280 = arith.constant 4 : i32
      %broadcast_in_dim3A_281 = vector.broadcast %broadcast_in_dim3A_280 : i32 to vector<16xi32>
      %gather3A_282 = tpu.vector_load_idx %arg14[%get3A_17, %broadcast_in_dim3A_281] : memref<20x16xf32, #tpu.memory_space<vmem>>[vector<16xi32>, vector<16xi32>], vector<16xf32>,
      %add3A_283 = arith.constant 48 : i32
      %add3A_284 = vector.broadcast %add3A_283 : i32 to vector<16xi32>
      %add3A_285 = arith.addi %broadcast_in_dim3A_281, %add3A_284 : vector<16xi32>
      tpu.vector_store_idx %arg15[%add3A_12, %add3A_285], %gather3A_282 : memref<512x64xf32, #tpu.memory_space<vmem>>[vector<16xi32>, vector<16xi32>], vector<16xf32>,
      %broadcast_in_dim3A_286 = arith.constant 5 : i32
      %broadcast_in_dim3A_287 = vector.broadcast %broadcast_in_dim3A_286 : i32 to vector<16xi32>
      %gather3A_288 = tpu.vector_load_idx %arg14[%get3A_17, %broadcast_in_dim3A_287] : memref<20x16xf32, #tpu.memory_space<vmem>>[vector<16xi32>, vector<16xi32>], vector<16xf32>,
      %add3A_289 = arith.constant 48 : i32
      %add3A_290 = vector.broadcast %add3A_289 : i32 to vector<16xi32>
      %add3A_291 = arith.addi %broadcast_in_dim3A_287, %add3A_290 : vector<16xi32>
      tpu.vector_store_idx %arg15[%add3A_12, %add3A_291], %gather3A_288 : memref<512x64xf32, #tpu.memory_space<vmem>>[vector<16xi32>, vector<16xi32>], vector<16xf32>,
      %broadcast_in_dim3A_292 = arith.constant 6 : i32
      %broadcast_in_dim3A_293 = vector.broadcast %broadcast_in_dim3A_292 : i32 to vector<16xi32>
      %gather3A_294 = tpu.vector_load_idx %arg14[%get3A_17, %broadcast_in_dim3A_293] : memref<20x16xf32, #tpu.memory_space<vmem>>[vector<16xi32>, vector<16xi32>], vector<16xf32>,
      %add3A_295 = arith.constant 48 : i32
      %add3A_296 = vector.broadcast %add3A_295 : i32 to vector<16xi32>
      %add3A_297 = arith.addi %broadcast_in_dim3A_293, %add3A_296 : vector<16xi32>
      tpu.vector_store_idx %arg15[%add3A_12, %add3A_297], %gather3A_294 : memref<512x64xf32, #tpu.memory_space<vmem>>[vector<16xi32>, vector<16xi32>], vector<16xf32>,
      %broadcast_in_dim3A_298 = arith.constant 7 : i32
      %broadcast_in_dim3A_299 = vector.broadcast %broadcast_in_dim3A_298 : i32 to vector<16xi32>
      %gather3A_300 = tpu.vector_load_idx %arg14[%get3A_17, %broadcast_in_dim3A_299] : memref<20x16xf32, #tpu.memory_space<vmem>>[vector<16xi32>, vector<16xi32>], vector<16xf32>,
      %add3A_301 = arith.constant 48 : i32
      %add3A_302 = vector.broadcast %add3A_301 : i32 to vector<16xi32>
      %add3A_303 = arith.addi %broadcast_in_dim3A_299, %add3A_302 : vector<16xi32>
      tpu.vector_store_idx %arg15[%add3A_12, %add3A_303], %gather3A_300 : memref<512x64xf32, #tpu.memory_space<vmem>>[vector<16xi32>, vector<16xi32>], vector<16xf32>,
      %broadcast_in_dim3A_304 = arith.constant 8 : i32
      %broadcast_in_dim3A_305 = vector.broadcast %broadcast_in_dim3A_304 : i32 to vector<16xi32>
      %gather3A_306 = tpu.vector_load_idx %arg14[%get3A_17, %broadcast_in_dim3A_305] : memref<20x16xf32, #tpu.memory_space<vmem>>[vector<16xi32>, vector<16xi32>], vector<16xf32>,
      %add3A_307 = arith.constant 48 : i32
      %add3A_308 = vector.broadcast %add3A_307 : i32 to vector<16xi32>
      %add3A_309 = arith.addi %broadcast_in_dim3A_305, %add3A_308 : vector<16xi32>
      tpu.vector_store_idx %arg15[%add3A_12, %add3A_309], %gather3A_306 : memref<512x64xf32, #tpu.memory_space<vmem>>[vector<16xi32>, vector<16xi32>], vector<16xf32>,
      %broadcast_in_dim3A_310 = arith.constant 9 : i32
      %broadcast_in_dim3A_311 = vector.broadcast %broadcast_in_dim3A_310 : i32 to vector<16xi32>
      %gather3A_312 = tpu.vector_load_idx %arg14[%get3A_17, %broadcast_in_dim3A_311] : memref<20x16xf32, #tpu.memory_space<vmem>>[vector<16xi32>, vector<16xi32>], vector<16xf32>,
      %add3A_313 = arith.constant 48 : i32
      %add3A_314 = vector.broadcast %add3A_313 : i32 to vector<16xi32>
      %add3A_315 = arith.addi %broadcast_in_dim3A_311, %add3A_314 : vector<16xi32>
      tpu.vector_store_idx %arg15[%add3A_12, %add3A_315], %gather3A_312 : memref<512x64xf32, #tpu.memory_space<vmem>>[vector<16xi32>, vector<16xi32>], vector<16xf32>,
      %broadcast_in_dim3A_316 = arith.constant 10 : i32
      %broadcast_in_dim3A_317 = vector.broadcast %broadcast_in_dim3A_316 : i32 to vector<16xi32>
      %gather3A_318 = tpu.vector_load_idx %arg14[%get3A_17, %broadcast_in_dim3A_317] : memref<20x16xf32, #tpu.memory_space<vmem>>[vector<16xi32>, vector<16xi32>], vector<16xf32>,
      %add3A_319 = arith.constant 48 : i32
      %add3A_320 = vector.broadcast %add3A_319 : i32 to vector<16xi32>
      %add3A_321 = arith.addi %broadcast_in_dim3A_317, %add3A_320 : vector<16xi32>
      tpu.vector_store_idx %arg15[%add3A_12, %add3A_321], %gather3A_318 : memref<512x64xf32, #tpu.memory_space<vmem>>[vector<16xi32>, vector<16xi32>], vector<16xf32>,
      %broadcast_in_dim3A_322 = arith.constant 11 : i32
      %broadcast_in_dim3A_323 = vector.broadcast %broadcast_in_dim3A_322 : i32 to vector<16xi32>
      %gather3A_324 = tpu.vector_load_idx %arg14[%get3A_17, %broadcast_in_dim3A_323] : memref<20x16xf32, #tpu.memory_space<vmem>>[vector<16xi32>, vector<16xi32>], vector<16xf32>,
      %add3A_325 = arith.constant 48 : i32
      %add3A_326 = vector.broadcast %add3A_325 : i32 to vector<16xi32>
      %add3A_327 = arith.addi %broadcast_in_dim3A_323, %add3A_326 : vector<16xi32>
      tpu.vector_store_idx %arg15[%add3A_12, %add3A_327], %gather3A_324 : memref<512x64xf32, #tpu.memory_space<vmem>>[vector<16xi32>, vector<16xi32>], vector<16xf32>,
      %broadcast_in_dim3A_328 = arith.constant 12 : i32
      %broadcast_in_dim3A_329 = vector.broadcast %broadcast_in_dim3A_328 : i32 to vector<16xi32>
      %gather3A_330 = tpu.vector_load_idx %arg14[%get3A_17, %broadcast_in_dim3A_329] : memref<20x16xf32, #tpu.memory_space<vmem>>[vector<16xi32>, vector<16xi32>], vector<16xf32>,
      %add3A_331 = arith.constant 48 : i32
      %add3A_332 = vector.broadcast %add3A_331 : i32 to vector<16xi32>
      %add3A_333 = arith.addi %broadcast_in_dim3A_329, %add3A_332 : vector<16xi32>
      tpu.vector_store_idx %arg15[%add3A_12, %add3A_333], %gather3A_330 : memref<512x64xf32, #tpu.memory_space<vmem>>[vector<16xi32>, vector<16xi32>], vector<16xf32>,
      %broadcast_in_dim3A_334 = arith.constant 13 : i32
      %broadcast_in_dim3A_335 = vector.broadcast %broadcast_in_dim3A_334 : i32 to vector<16xi32>
      %gather3A_336 = tpu.vector_load_idx %arg14[%get3A_17, %broadcast_in_dim3A_335] : memref<20x16xf32, #tpu.memory_space<vmem>>[vector<16xi32>, vector<16xi32>], vector<16xf32>,
      %add3A_337 = arith.constant 48 : i32
      %add3A_338 = vector.broadcast %add3A_337 : i32 to vector<16xi32>
      %add3A_339 = arith.addi %broadcast_in_dim3A_335, %add3A_338 : vector<16xi32>
      tpu.vector_store_idx %arg15[%add3A_12, %add3A_339], %gather3A_336 : memref<512x64xf32, #tpu.memory_space<vmem>>[vector<16xi32>, vector<16xi32>], vector<16xf32>,
      %broadcast_in_dim3A_340 = arith.constant 14 : i32
      %broadcast_in_dim3A_341 = vector.broadcast %broadcast_in_dim3A_340 : i32 to vector<16xi32>
      %gather3A_342 = tpu.vector_load_idx %arg14[%get3A_17, %broadcast_in_dim3A_341] : memref<20x16xf32, #tpu.memory_space<vmem>>[vector<16xi32>, vector<16xi32>], vector<16xf32>,
      %add3A_343 = arith.constant 48 : i32
      %add3A_344 = vector.broadcast %add3A_343 : i32 to vector<16xi32>
      %add3A_345 = arith.addi %broadcast_in_dim3A_341, %add3A_344 : vector<16xi32>
      tpu.vector_store_idx %arg15[%add3A_12, %add3A_345], %gather3A_342 : memref<512x64xf32, #tpu.memory_space<vmem>>[vector<16xi32>, vector<16xi32>], vector<16xf32>,
      %broadcast_in_dim3A_346 = arith.constant 15 : i32
      %broadcast_in_dim3A_347 = vector.broadcast %broadcast_in_dim3A_346 : i32 to vector<16xi32>
      %gather3A_348 = tpu.vector_load_idx %arg14[%get3A_17, %broadcast_in_dim3A_347] : memref<20x16xf32, #tpu.memory_space<vmem>>[vector<16xi32>, vector<16xi32>], vector<16xf32>,
      %add3A_349 = arith.constant 48 : i32
      %add3A_350 = vector.broadcast %add3A_349 : i32 to vector<16xi32>
      %add3A_351 = arith.addi %broadcast_in_dim3A_347, %add3A_350 : vector<16xi32>
      tpu.vector_store_idx %arg15[%add3A_12, %add3A_351], %gather3A_348 : memref<512x64xf32, #tpu.memory_space<vmem>>[vector<16xi32>, vector<16xi32>], vector<16xf32>,
    }
    %scan3A_7 = arith.constant 32 : i32
    "tpu.region"() ({
      %run_scoped3A = tpu.sem_alloc : memref<!tpu.dma_semaphore, #tpu.memory_space<semaphore_mem>>
      %dma_start3A = arith.constant 0 : i32
      %dma_start3A_8 = tpu.memref_slice %arg8[%mul3A_2, %dma_start3A] : memref<16384x64xf32, #tpu.memory_space<hbm>> -> memref<512x64xf32, #tpu.memory_space<hbm>>
      %dma_start3A_9 = arith.constant 0 : i32
      %dma_start3A_10 = tpu.memref_slice %arg8[%mul3A_2, %dma_start3A_9] : memref<16384x64xf32, #tpu.memory_space<hbm>> -> memref<512x64xf32, #tpu.memory_space<hbm>>
      tpu.enqueue_dma source(%arg15 : memref<512x64xf32, #tpu.memory_space<vmem>>) target(%dma_start3A_10 : memref<512x64xf32, #tpu.memory_space<hbm>>) target_semaphore(%run_scoped3A : memref<!tpu.dma_semaphore, #tpu.memory_space<semaphore_mem>>)
      %dma_wait3A = arith.constant 0 : i32
      %dma_wait3A_11 = tpu.memref_slice %arg8[%mul3A_2, %dma_wait3A] : memref<16384x64xf32, #tpu.memory_space<hbm>> -> memref<512x64xf32, #tpu.memory_space<hbm>>
      %dma_wait3A_12 = arith.constant 0 : i32
      %dma_wait3A_13 = tpu.memref_slice %arg8[%mul3A_2, %dma_wait3A_12] : memref<16384x64xf32, #tpu.memory_space<hbm>> -> memref<512x64xf32, #tpu.memory_space<hbm>>
      tpu.wait_dma2 semaphore(%run_scoped3A : memref<!tpu.dma_semaphore, #tpu.memory_space<semaphore_mem>>) src(%arg15 : memref<512x64xf32, #tpu.memory_space<vmem>>) dst(%dma_wait3A_13 : memref<512x64xf32, #tpu.memory_space<hbm>>)
      tpu.yield
    }) : () -> ()
    return
  }
}

module attributes {stable_mosaic.version = 14 : i64} {
  func.func @_mlp_kernel(%arg0: i32, %arg1: memref<8192x64xf32, #tpu.memory_space<vmem>>, %arg2: memref<64x128xf32, #tpu.memory_space<vmem>>, %arg3: memref<128xf32, #tpu.memory_space<vmem>>, %arg4: memref<128x64xf32, #tpu.memory_space<vmem>>, %arg5: memref<64xf32, #tpu.memory_space<vmem>>, %arg6: memref<8192x64xf32, #tpu.memory_space<vmem>>) attributes {dimension_semantics = [#tpu.dimension_semantics<arbitrary>], iteration_bounds = array<i64: 2>, scalar_prefetch = 0 : i64, scratch_operands = 0 : i64, tpu.core_type = #tpu.core_type<tc>, window_params = [{transform_indices = @transform_0, window_bounds = array<i64: 8192, 64>}, {pipeline_mode = #tpu.pipeline_mode<synchronous>, transform_indices = @transform_1, window_bounds = array<i64: 64, 128>}, {pipeline_mode = #tpu.pipeline_mode<synchronous>, transform_indices = @transform_2, window_bounds = array<i64: 128>}, {pipeline_mode = #tpu.pipeline_mode<synchronous>, transform_indices = @transform_3, window_bounds = array<i64: 128, 64>}, {pipeline_mode = #tpu.pipeline_mode<synchronous>, transform_indices = @transform_4, window_bounds = array<i64: 64>}, {transform_indices = @transform_5, window_bounds = array<i64: 8192, 64>}]} {
    %get3A = arith.constant 0 : index
    %get3A_0 = arith.constant 0 : index
    %get3A_1 = vector.load %arg1[%get3A, %get3A_0] : memref<8192x64xf32, #tpu.memory_space<vmem>>, vector<8192x64xf32>
    %get3A_2 = arith.constant 0 : index
    %get3A_3 = arith.constant 0 : index
    %get3A_4 = vector.load %arg2[%get3A_2, %get3A_3] : memref<64x128xf32, #tpu.memory_space<vmem>>, vector<64x128xf32>
    %dot_general3A = arith.constant dense<0.000000e+00> : vector<8192x128xf32>
    %dot_general3A_5 = tpu.matmul %get3A_1, %get3A_4, %dot_general3A {dimension_numbers = #tpu.dot_dimension_numbers<[1], [0], [0], [1], [0, 0, 1, 1], [], []>, transpose_lhs_hint = false} : vector<8192x64xf32>, vector<64x128xf32>, vector<8192x128xf32> -> vector<8192x128xf32>
    %get3A_6 = arith.constant 0 : index
    %get3A_7 = vector.load %arg3[%get3A_6] : memref<128xf32, #tpu.memory_space<vmem>>, vector<128xf32>
    %broadcast_in_dim3A = vector.shape_cast %get3A_7 : vector<128xf32> to vector<1x128xf32>
    %add3A = vector.broadcast %broadcast_in_dim3A : vector<1x128xf32> to vector<8192x128xf32>
    %add3A_8 = arith.addf %dot_general3A_5, %add3A : vector<8192x128xf32>
    %max3A = arith.constant 0.000000e+00 : f32
    %max3A_9 = vector.broadcast %max3A : f32 to vector<8192x128xf32>
    %max3A_10 = arith.maximumf %add3A_8, %max3A_9 : vector<8192x128xf32>
    %get3A_11 = arith.constant 0 : index
    %get3A_12 = arith.constant 0 : index
    %get3A_13 = vector.load %arg4[%get3A_11, %get3A_12] : memref<128x64xf32, #tpu.memory_space<vmem>>, vector<128x64xf32>
    %dot_general3A_14 = arith.constant dense<0.000000e+00> : vector<8192x64xf32>
    %dot_general3A_15 = tpu.matmul %max3A_10, %get3A_13, %dot_general3A_14 {dimension_numbers = #tpu.dot_dimension_numbers<[1], [0], [0], [1], [0, 0, 1, 1], [], []>, transpose_lhs_hint = false} : vector<8192x128xf32>, vector<128x64xf32>, vector<8192x64xf32> -> vector<8192x64xf32>
    %get3A_16 = arith.constant 0 : index
    %get3A_17 = vector.load %arg5[%get3A_16] : memref<64xf32, #tpu.memory_space<vmem>>, vector<64xf32>
    %broadcast_in_dim3A_18 = vector.shape_cast %get3A_17 : vector<64xf32> to vector<1x64xf32>
    %add3A_19 = vector.broadcast %broadcast_in_dim3A_18 : vector<1x64xf32> to vector<8192x64xf32>
    %add3A_20 = arith.addf %dot_general3A_15, %add3A_19 : vector<8192x64xf32>
    %swap3A = arith.constant 0 : index
    %swap3A_21 = arith.constant 0 : index
    %swap3A_22 = vector.load %arg6[%swap3A, %swap3A_21] : memref<8192x64xf32, #tpu.memory_space<vmem>>, vector<8192x64xf32>
    tpu.vector_store %arg6[%swap3A, %swap3A_21], %add3A_20 {strides = array<i32>} : memref<8192x64xf32, #tpu.memory_space<vmem>>, vector<8192x64xf32>,
    return
  }
  func.func @transform_0(%arg0: i32) -> (i32, i32) {
    %c0_i32 = arith.constant 0 : i32
    %c0_i32_0 = arith.constant 0 : i32
    return %arg0, %c0_i32 : i32, i32
  }
  func.func @transform_1(%arg0: i32) -> (i32, i32) {
    %c0_i32 = arith.constant 0 : i32
    %c0_i32_0 = arith.constant 0 : i32
    %c0_i32_1 = arith.constant 0 : i32
    return %c0_i32, %c0_i32_0 : i32, i32
  }
  func.func @transform_2(%arg0: i32) -> i32 {
    %c0_i32 = arith.constant 0 : i32
    %c0_i32_0 = arith.constant 0 : i32
    return %c0_i32 : i32
  }
  func.func @transform_3(%arg0: i32) -> (i32, i32) {
    %c0_i32 = arith.constant 0 : i32
    %c0_i32_0 = arith.constant 0 : i32
    %c0_i32_1 = arith.constant 0 : i32
    return %c0_i32, %c0_i32_0 : i32, i32
  }
  func.func @transform_4(%arg0: i32) -> i32 {
    %c0_i32 = arith.constant 0 : i32
    %c0_i32_0 = arith.constant 0 : i32
    return %c0_i32 : i32
  }
  func.func @transform_5(%arg0: i32) -> (i32, i32) {
    %c0_i32 = arith.constant 0 : i32
    %c0_i32_0 = arith.constant 0 : i32
    return %arg0, %c0_i32 : i32, i32
  }
}

</mosaic_0001>

<sc_bundles>
// kernel: kernel.4.cloned.1.call-start
scs
__scs_entry_jumppad:
0x0: {  	(pc) =	sbr.rel $0x88, $3  }
0x1: {  	(tag) =	ssettag $0x0;
	lr =	simm.s32 $0x1  }
0x2: {  	[smem:$0x3F97] =	sst lr;
	_ =	strace $0xD0000000  }
0x3: {  	_ = 	snop  }
0x4: {  	_ = 	snop  }
0x5: {  	_ = 	snop  }
0x6: {  	_ = 	snop  }
0x7: {  	_ = 	snop  }
__scs_overlays_trampoline_lowered:
0x8: {  	[smem:$0x3FA6] =	sst s0  }
0x9: {  	[smem:$0x3FA7] =	sst s1  }
0xa: {  	[smem:$0x3FA8] =	sst s2  }
0xb: {  	[smem:$0x3FA9] =	sst s3  }
0xc: {  	[smem:$0x3FAA] =	sst s4  }
0xd: {  	[smem:$0x3FAB] =	sst s5  }
0xe: {  	[smem:$0x3FAC] =	sst s6  }
0xf: {  	[smem:$0x3FAD] =	sst s7  }
0x10: {  	[smem:$0x3FAE] =	sst s8  }
0x11: {  	[smem:$0x3FAF] =	sst s9;
	s0 =	simm.s32 @!p0 $0x0  }
0x12: {  	s1 =	sld [smem:$0x3F95];
	s0 =	simm.s32 @p0 $0x1  }
0x13: {  	[smem:$0x3FB0] =	sst s0;
	s0 =	simm.s32 @!p1 $0x0  }
0x14: {  	s2 =	sld [smem:$0x3F94];
	s0 =	simm.s32 @p1 $0x1  }
0x15: {  	[smem:$0x3FB1] =	sst s0;
	s0 =	simm.s32 @!p2 $0x0  }
0x16: {  	s3 =	sld [smem:$0x3FDB];
	s0 =	simm.s32 @p2 $0x1  }
0x17: {  	s4 =	simm.s32 $0x1BF5;
	[smem:$0x3FB3] =	sst s0  }
0x18: {  	s0 =	sld [smem:$0x3F96];
	_ =	swait.ge [sflag:s4], $0x0  }
0x19: {  	s7 =	sld [smem:$0x3F97]  }
0x1a: {  	s8 =	sadd.s32 $0xFFFFE003, lr  }
0x1b: {  	s9 =	sadd.s32 $0xFFFFFEF7, lr;
	s5 =	simm.s32 $0xFFFFFFFF;
	p2 =	slt.u32 s8, $0xFFFFF086  }
0x1c: {  	p1 =	slt.u32 s9, $0xF7A;
	s5 =	simm.s32 @!p2 $0x0  }
0x1d: {  	s5 =	simm.s32 @p1 $0x1;
	p0 =	seq.s32 s7, s2  }
0x1e: {  	s7 =	smul.u32 @!p0 $0xF7A, s2;
	p2 =	seq.s32 @!p0 s5, $0x0  }
0x1f: {  	s9 =	smul.u32 $0xF7A, s1;
	s8 =	simm.s32 @!p0 $0x1BF5;
	p2 =	por !p2, p0  }
0x20: {  	[sflag:s8] =	ssyncset.s32 @!p0 $0xFFFFF086;
	s6 =	sadd.s32 @!p0 s3, s7;
	s7 =	simm.s32 @!p0 $0x108  }
0x21: {  	s3 =	sadd.s32 s3, s9;
	s6 =	sadd.s32 @!p0 $0x88, s6;
	s7 =	simm.s32 @p2 $0x1082  }
0x22: {  	[simem:s7], [sflag:s8] =	dma.local @!p0 [hbm:s6], $0xF7A  }
0x23: {  	s9 =	sor.u32 $0xD0000000, s2;
	s6 =	simm.s32 $0x108;
	_ =	swait.ge @!p0 [sflag:s8], $0x0  }
0x24: {  	s3 =	sadd.s32 $0x88, s3;
	s6 =	simm.s32 @!p1 $0x1082;
	[sflag:s4] =	ssyncset.s32 $0xFFFFF086  }
0x25: {  	[simem:s6], [sflag:s4] =	dma.local [hbm:s3], $0xF7A  }
0x26: {  	[smem:$0x3F97] =	sst s1;
	(tag) =	ssettag s2;
	_ =	strace s9  }
0x27: {  	s1 =	sld [smem:$0x3FA7]  }
0x28: {  	s2 =	sld [smem:$0x3FA8]  }
0x29: {  	s4 =	sld [smem:$0x3FAA]  }
0x2a: {  	p0 =	seq.s32 s5, $0x0;
	s5 =	sld [smem:$0x3FAB]  }
0x2b: {  	s6 =	sld [smem:$0x3FAC]  }
0x2c: {  	s7 =	sld [smem:$0x3FAD]  }
0x2d: {  	s3 =	simm.s32 $0x108;
	s8 =	sld [smem:$0x3FAE]  }
0x2e: {  	s3 =	simm.s32 @!p0 $0x1082;
	s9 =	sld [smem:$0x3FAF]  }
0x2f: {  	lr =	sadd.s32 s0, s3;
	s0 =	sld [smem:$0x3FA6]  }
0x30: {  	s3 =	sld [smem:$0x3FA9]  }
0x31: {  	[smem:$0x3FB2] =	sst s10  }
0x32: {  	s10 =	sld [smem:$0x3FB0];
	_ =	sdelay $0x3  }
0x33: {  	p0 =	seq.s32 s10, $0x1;
	s10 =	sld [smem:$0x3FB2];
	_ =	sdelay $0x3  }
0x34: {  	[smem:$0x3FB2] =	sst s10  }
0x35: {  	s10 =	sld [smem:$0x3FB1];
	_ =	sdelay $0x3  }
0x36: {  	p1 =	seq.s32 s10, $0x1;
	s10 =	sld [smem:$0x3FB2];
	_ =	sdelay $0x3  }
0x37: {  	[smem:$0x3FB2] =	sst s10  }
0x38: {  	s10 =	sld [smem:$0x3FB3]  }
0x39: {  	_ = 	snop;
	(pc) =	sbr.ind lr, $3  }
0x3a: {  	_ = 	snop  }
0x3b: {  	_ = 	snop  }
0x3c: {  	p2 =	seq.s32 s10, $0x1;
	s10 =	sld [smem:$0x3FB2]  }
0x3d: {  	_ =	shalt  }
0x3e: {  	_ =	shalt  }
0x3f: {  	_ =	shalt  }
0x40: {  	_ =	shalt  }
0x41: {  	_ =	shalt  }
0x42: {  	_ =	shalt  }
0x43: {  	_ =	shalt  }
0x44: {  	_ =	shalt  }
0x45: {  	_ =	shalt  }
0x46: {  	_ =	shalt  }
0x47: {  	_ =	shalt  }
0x48: {  	_ =	shalt  }
0x49: {  	_ =	shalt  }
0x4a: {  	_ =	shalt  }
0x4b: {  	_ =	shalt  }
0x4c: {  	_ =	shalt  }
0x4d: {  	_ =	shalt  }
0x4e: {  	_ =	shalt  }
0x4f: {  	_ =	shalt  }
0x50: {  	_ =	shalt  }
0x51: {  	_ =	shalt  }
0x52: {  	_ =	shalt  }
0x53: {  	_ =	shalt  }
0x54: {  	_ =	shalt  }
0x55: {  	_ =	shalt  }
0x56: {  	_ =	shalt  }
0x57: {  	_ =	shalt  }
0x58: {  	_ =	shalt  }
0x59: {  	_ =	shalt  }
0x5a: {  	_ =	shalt  }
0x5b: {  	_ =	shalt  }
0x5c: {  	_ =	shalt  }
0x5d: {  	_ =	shalt  }
0x5e: {  	_ =	shalt  }
0x5f: {  	_ =	shalt  }
0x60: {  	_ =	shalt  }
0x61: {  	_ =	shalt  }
0x62: {  	_ =	shalt  }
0x63: {  	_ =	shalt  }
0x64: {  	_ =	shalt  }
0x65: {  	_ =	shalt  }
0x66: {  	_ =	shalt  }
0x67: {  	_ =	shalt  }
0x68: {  	_ =	shalt  }
0x69: {  	_ =	shalt  }
0x6a: {  	_ =	shalt  }
0x6b: {  	_ =	shalt  }
0x6c: {  	_ =	shalt  }
0x6d: {  	_ =	shalt  }
0x6e: {  	_ =	shalt  }
0x6f: {  	_ =	shalt  }
0x70: {  	_ =	shalt  }
0x71: {  	_ =	shalt  }
0x72: {  	_ =	shalt  }
0x73: {  	_ =	shalt  }
0x74: {  	_ =	shalt  }
0x75: {  	_ =	shalt  }
0x76: {  	_ =	shalt  }
0x77: {  	_ =	shalt  }
0x78: {  	_ =	shalt  }
0x79: {  	_ =	shalt  }
0x7a: {  	_ =	shalt  }
0x7b: {  	_ =	shalt  }
0x7c: {  	_ =	shalt  }
0x7d: {  	_ =	shalt  }
0x7e: {  	_ =	shalt  }
0x7f: {  	_ =	shalt  }
0x80: {  	_ =	shalt  }
0x81: {  	_ =	shalt  }
0x82: {  	_ =	shalt  }
0x83: {  	_ =	shalt  }
0x84: {  	_ =	shalt  }
0x85: {  	_ =	shalt  }
0x86: {  	_ =	shalt  }
0x87: {  	_ =	shalt  }
.Lfunc_end0:
.L_simem_size_0:
called_computation_lowered:
.L_overlay_start_0:
0x88: {  	s2 =	sld [smem:$0x3FD9]  }
0x89: {  	s3 =	sld [smem:$0x3FFE];
	_ =	sdelay $0x1  }
0x8a: {  	s1 =	srdreg.scid  }
0x8b: {  	s0 =	sand.u32 $0x1, s1  }
0x8c: {  	s17 =	sshll.u32 s0, $0xA;
	s2 =	sadd.s32 s3, s2  }
0x8d: {  	s2 =	sadd.s32 s2, s17  }
0x8e: {  	[smem:$0x3FBE] =	sst s2  }
0x8f: {  	_ = 	snop  }
0x90: {  	s2 =	sld [smem:$0x3FC9]  }
0x91: {  	s18 =	sld [smem:$0x3FC8]  }
0x92: {  	s4 =	sld [smem:$0x3FC7]  }
0x93: {  	s5 =	sld [smem:$0x3FD0];
	(tm) =	ssettm $0x1  }
0x94: {  	s6 =	sld [smem:$0x3FFB];
	_ =	sdelay $0x3  }
0x95: {  	_ =	strace s6  }
0x96: {  	s6 =	sld [smem:$0x3FFC];
	_ =	sdelay $0x3  }
0x97: {  	_ =	strace s6  }
0x98: {  	s6 =	sld [smem:$0x3FFD];
	_ =	sdelay $0x3  }
0x99: {  	_ =	strace s6  }
0x9a: {  	_ =	strace $0x8FFFFFFF  }
0x9b: {  	s19 =	sld [smem:$0x3FDB];
	_ =	sdelay $0x1  }
0x9c: {  	s7 =	simm.s32 $_scs_section_size  }
0x9d: {  	s8 =	simm.s32 $_size__tile_overlayer_lowered;
	s9 =	simm.s32 $_tile_overlayer_lowered  }
0x9e: {  	s22 =	simm.s32 $0x1BFF;
	s21 =	sshll.u32 s9, $0x1;
	s6 =	sadd.s32 s7, s19  }
0x9f: {  	s10 =	simm.s32 $0x0;
	s20 =	sshll.u32 s8, $0x1;
	s8 =	sadd.s32 s21, s6  }
0xa0: {  	[timem:s10], [sflag:s22] =	dma.local [hbm:s8], s20  }
0xa1: {  	_ =	swait.ge [sflag:s22], s20  }
0xa2: {  	s7 =	ssub.s32 $0x0, s20;
	[sflag:s22] =	ssyncset.done $0x0  }
0xa3: {  	[sflag:s22] =	ssyncadd.s32 s7;
	_ =	sdelay $0x1  }
0xa4: {  	s23 =	simm.s32 $0x1B8B  }
0xa5: {  	_ =	swait.ge [sflag:s23], $0x1  }
0xa6: {  	[sflag:s23] =	ssyncset.done $0x0  }
0xa7: {  	s25 =	simm.s32 $0x1B8E;
	s24 =	sld [smem:$0x3FFE];
	[sflag:s23] =	ssyncadd.s32 $0xFFFFFFFF  }
0xa8: {  	s26 =	simm.s32 $execute0_lowered;
	[smem:$0x3FD2] =	sst s25  }
0xa9: {  	s8 =	sshll.u32 s26, $0x1;
	_ =	strace $0x80000046;
	[dreg:$0x1] =	wrdreg $0xFFFFFFFF  }
0xaa: {  	s28 =	simm.s32 $_size_execute0_lowered;
	s6 =	sadd.s32 s6, s8;
	[dreg:$0x0] =	wrdreg $0x0  }
0xab: {  	s8 =	sshll.u32 s28, $0x1;
	[dreg:$0x2] =	wrdreg s6  }
0xac: {  	[dreg:$0x3] =	wrdreg s8  }
0xad: {  	[dreg:$0x4] =	wrdreg $0xC0  }
0xae: {  	_ =	task [dreg:s10], $0x5FFFF  }
0xaf: {  	[dreg:$0x1] =	wrdreg $0xFFFFFFFF  }
0xb0: {  	[dreg:$0x0] =	wrdreg $0x60  }
0xb1: {  	[dreg:$0x2] =	wrdreg s2  }
0xb2: {  	[dreg:$0x3] =	wrdreg s18  }
0xb3: {  	[dreg:$0x4] =	wrdreg s4  }
0xb4: {  	[dreg:$0x5] =	wrdreg s24  }
0xb5: {  	[dreg:$0x6] =	wrdreg s5  }
0xb6: {  	[dreg:$0x7] =	wrdreg $0x9  }
0xb7: {  	_ =	task.clear_ibuf [dreg:s10], $0x8FFFF;
	_ =	strace $0x90000046  }
0xb8: {  	s29 =	simm.s32 $0x9;
	_ =	strace $0x80000048  }
0xb9: {  	_ =	swait.ge [sflag:s29], $0x1  }
0xba: {  	[sflag:s29] =	ssyncadd.s32 $0xFFFFFFFF  }
0xbb: {  	_ =	strace $0x90000048  }
0xbc: {  	_ =	sfence  }
0xbd: {  	s30 =	sld [smem:$0x0];
	_ =	sdelay $0x2  }
0xbe: {  	s31 =	sshll.u32 s1, $0xD;
	s1 =	sshrl.u32 s1, $0x2  }
0xbf: {  	s3 =	sand.u32 $0x4000, s31;
	s1 =	sadd.s32 s1, s30  }
0xc0: {  	s0 =	sor.u32 s3, s0;
	s1 =	sshll.u32 s1, $0x11  }
0xc1: {  	s0 =	sor.u32 s1, s0  }
0xc2: {  	s0 =	sadd.s32 $0x8F2B, s0  }
0xc3: {  	[sflag:s0] =	ssyncadd.remote.s32 $0x1  }
0xc4: {  	_ =	sfence.sel $0xFFFF  }
0xc5: {  	[dreg:$0x0] =	wrdreg $0xFFFFFFFF;
	(pc) =	sbr.abs _section_cstart, $3  }
0xc6: {  	[dreg:$0x1] =	wrdreg $0xFFFFFFFF  }
0xc7: {  	_ =	task.clear_ibuf [dreg:s10], $0x2FFFF;
	_ =	strace $0x9FFFFFFF  }
0xc8: {  	(tm) =	ssettm $0x7FFFFFFF  }
0xc9: {  	_ =	shalt  }
tec
execute0_lowered:
.L_overlay_start_1:
0x0: {  	(tag) =	ssettag $0x1  }
0x1: {  	s6 =	rddreg [dreg:$0x0]  }
0x2: {  	s7 =	rddreg [dreg:$0x1]  }
0x3: {  	s8 =	rddreg [dreg:$0x2]  }
0x4: {  	s5 =	rddreg [dreg:$0x3]  }
0x5: {  	s9 =	rddreg [dreg:$0x4]  }
0x6: {  	s0 =	rddreg [dreg:$0x5];
	s1 =	simm.s32 $0x0  }
0x7: {  	s4 =	srdreg.scid;
	s2 =	stileid.u32;
	s14 =	simm.s32 $0xC90  }
0x8: {  	s15 =	simm.s32 $0xDD0;
	s16 =	simm.s32 $0x0;
	[smem:$0x7FF] =	sst s1  }
0x9: {  	s3 =	sadd.s32 $0xC00, s5;
	s4 =	sand.u32 $0x1, s4;
	s11 =	sshll.u32 s2, $0xA  }
0xa: {  	_ =	strace $0x80000047;
	s10 =	ssub.s32 $0x2, s4;
	s12 =	sshll.u32 s4, $0x9  }
0xb: {  	s4 =	sadd.s32 $0x1000, s5;
	s13 =	sshrl.u32 s10, $0x1;
	s11 =	sor.u32 s12, s11  }
0xc: {  	s5 =	sadd.s32 $0xE00, s5;
	s10 =	ssub.s32 s10, s13;
	s12 =	sshrl.u32 s11, $0x3  }
0xd: {  	s11 =	sshll.u32 s11, $0x3;
	s13 =	simm.s32 $0x650;
	s6 =	sadd.s32 s6, s12  }
0xe: {  	v0 =	vlaneseq.u32;
	s7 =	sadd.s32 s7, s12;
	s8 =	sadd.s32 s8, s12;
	s9 =	sadd.s32 s9, s11  }
0xf: {  	v0 =	vmul.u32 $0x40, v0;
	s10 =	smax.u32 s10, $0x1;
	s11 =	simm.s32 $0x1;
	s12 =	simm.s32 $0x600  }
.LBB2_1:
0x10: {  	[tilespmem:s1], [sflag:$0x1] =	stream.linear.gather [hbm4b:s6+s1], $0x200, $0x38;
	[tilespmem:$0x8DD0] =	vst v63  }
0x11: {  	_ =	swait.ge [sflag:s11], $0x200  }
0x12: {  	[sflag:s11] =	ssyncset.done $0x0  }
0x13: {  	s17 =	simm.s32 $0x200;
	[sflag:s11] =	ssyncadd.s32 $0xFFFFFE00  }
0x14: {  	[tilespmem:s17], [sflag:$0x1] =	stream.linear.gather [hbm4b:s7+s1], $0x200, $0x38;
	[tilespmem:$0x8DD0] =	vst v63  }
0x15: {  	_ =	swait.ge [sflag:s11], $0x200  }
0x16: {  	[sflag:s11] =	ssyncset.done $0x0  }
0x17: {  	s18 =	simm.s32 $0x400;
	[sflag:s11] =	ssyncadd.s32 $0xFFFFFE00  }
0x18: {  	[tilespmem:s18], [sflag:$0x1] =	stream.linear.gather [hbm4b:s8+s1], $0x200, $0x38;
	[tilespmem:$0x8DD0] =	vst v63  }
0x19: {  	_ =	swait.ge [sflag:s11], $0x200  }
0x1a: {  	[sflag:s11] =	ssyncset.done $0x0  }
0x1b: {  	[sflag:s11] =	ssyncadd.s32 $0xFFFFFE00  }
0x1c: {  	[tilespmem:s12], [sflag:$0x1] =	stream.linear.gather [hbm4b:s3+s1], $0x50, $0x38;
	[tilespmem:$0x8DD0] =	vst v63  }
0x1d: {  	_ =	swait.ge [sflag:s11], $0x50  }
0x1e: {  	[sflag:s11] =	ssyncset.done $0x0  }
0x1f: {  	[sflag:s11] =	ssyncadd.s32 $0xFFFFFFB0  }
0x20: {  	[tilespmem:s13], [sflag:$0x1] =	stream.linear.gather [hbm4b:s4+s1], $0x640, $0x38;
	[tilespmem:$0x8DD0] =	vst v63  }
0x21: {  	_ =	swait.ge [sflag:s11], $0x640  }
0x22: {  	[sflag:s11] =	ssyncset.done $0x0  }
0x23: {  	[sflag:s11] =	ssyncadd.s32 $0xFFFFF9C0  }
0x24: {  	[tilespmem:s14], [sflag:$0x1] =	stream.linear.gather [hbm4b:s5+s1], $0x140, $0x38;
	[tilespmem:$0x8DD0] =	vst v63  }
0x25: {  	_ =	swait.ge [sflag:s11], $0x140  }
0x26: {  	[sflag:s11] =	ssyncset.done $0x0  }
0x27: {  	s19 =	simm.s32 $0x0;
	s20 =	simm.s32 $0x0;
	[sflag:s11] =	ssyncadd.s32 $0xFFFFFEC0  }
.LBB2_2:
0x28: {  	v1 =	vld [tilespmem:s19+$0x0];
	_ =	sdelay $0x4  }
0x29: {  	v3 =	vshll.u32 v1, $0x4;
	_ =	sdelay $0x2  }
0x2a: {  	v1 =	vmov s20  }
0x2b: {  	v1 =	vshll.u32 v1, $0x6  }
0x2c: {  	v1 =	vor.u32 v0, v1;
	v4 =	vld.idx.msk [tilespmem:v3+s12+$0x0], $0xffff  }
0x2d: {  	v5 =	vor.u32 $0x1, v3;
	_ =	sdelay $0x2  }
0x2e: {  	v6 =	vld [tilespmem:s17+$0x0]  }
0x2f: {  	v2 =	vld [tilespmem:s18+$0x0];
	[tilespmem:v1+s15+$0x0] =	vst.idx.msk $0xffff, v4  }
0x30: {  	v57 =	vor.u32 $0x1, v1;
	v4 =	vld.idx.msk [tilespmem:v5+s12+$0x0], $0xffff  }
0x31: {  	v7 =	vor.u32 $0x2, v3;
	_ =	sdelay $0x3  }
0x32: {  	[tilespmem:v57+s15+$0x0] =	vst.idx.msk $0xffff, v4  }
0x33: {  	v58 =	vor.u32 $0x2, v1;
	v4 =	vld.idx.msk [tilespmem:v7+s12+$0x0], $0xffff  }
0x34: {  	v59 =	vor.u32 $0x3, v3;
	_ =	sdelay $0x3  }
0x35: {  	[tilespmem:v58+s15+$0x0] =	vst.idx.msk $0xffff, v4  }
0x36: {  	v60 =	vor.u32 $0x3, v1;
	v4 =	vld.idx.msk [tilespmem:v59+s12+$0x0], $0xffff  }
0x37: {  	v61 =	vor.u32 $0x4, v3;
	_ =	sdelay $0x3  }
0x38: {  	[tilespmem:v60+s15+$0x0] =	vst.idx.msk $0xffff, v4  }
0x39: {  	v62 =	vor.u32 $0x4, v1;
	v4 =	vld.idx.msk [tilespmem:v61+s12+$0x0], $0xffff  }
0x3a: {  	v63 =	vor.u32 $0x5, v3;
	_ =	sdelay $0x3  }
0x3b: {  	[tilespmem:v62+s15+$0x0] =	vst.idx.msk $0xffff, v4  }
0x3c: {  	v9 =	vor.u32 $0x5, v1;
	v4 =	vld.idx.msk [tilespmem:v63+s12+$0x0], $0xffff  }
0x3d: {  	v10 =	vor.u32 $0x6, v3;
	_ =	sdelay $0x3  }
0x3e: {  	[tilespmem:v9+s15+$0x0] =	vst.idx.msk $0xffff, v4  }
0x3f: {  	v11 =	vor.u32 $0x6, v1;
	v4 =	vld.idx.msk [tilespmem:v10+s12+$0x0], $0xffff  }
0x40: {  	v12 =	vor.u32 $0x7, v3;
	_ =	sdelay $0x3  }
0x41: {  	[tilespmem:v11+s15+$0x0] =	vst.idx.msk $0xffff, v4  }
0x42: {  	v13 =	vor.u32 $0x7, v1;
	v4 =	vld.idx.msk [tilespmem:v12+s12+$0x0], $0xffff  }
0x43: {  	v14 =	vor.u32 $0x8, v3;
	_ =	sdelay $0x3  }
0x44: {  	[tilespmem:v13+s15+$0x0] =	vst.idx.msk $0xffff, v4  }
0x45: {  	v15 =	vor.u32 $0x8, v1;
	v4 =	vld.idx.msk [tilespmem:v14+s12+$0x0], $0xffff  }
0x46: {  	v16 =	vor.u32 $0x9, v3;
	_ =	sdelay $0x3  }
0x47: {  	[tilespmem:v15+s15+$0x0] =	vst.idx.msk $0xffff, v4  }
0x48: {  	v17 =	vor.u32 $0x9, v1;
	v4 =	vld.idx.msk [tilespmem:v16+s12+$0x0], $0xffff  }
0x49: {  	v18 =	vor.u32 $0xA, v3;
	_ =	sdelay $0x3  }
0x4a: {  	[tilespmem:v17+s15+$0x0] =	vst.idx.msk $0xffff, v4  }
0x4b: {  	v19 =	vor.u32 $0xA, v1;
	v4 =	vld.idx.msk [tilespmem:v18+s12+$0x0], $0xffff  }
0x4c: {  	v20 =	vor.u32 $0xB, v3;
	_ =	sdelay $0x3  }
0x4d: {  	[tilespmem:v19+s15+$0x0] =	vst.idx.msk $0xffff, v4  }
0x4e: {  	v21 =	vor.u32 $0xB, v1;
	v4 =	vld.idx.msk [tilespmem:v20+s12+$0x0], $0xffff  }
0x4f: {  	v22 =	vor.u32 $0xC, v3;
	_ =	sdelay $0x3  }
0x50: {  	[tilespmem:v21+s15+$0x0] =	vst.idx.msk $0xffff, v4  }
0x51: {  	v23 =	vor.u32 $0xC, v1;
	v4 =	vld.idx.msk [tilespmem:v22+s12+$0x0], $0xffff  }
0x52: {  	v24 =	vor.u32 $0xD, v3;
	_ =	sdelay $0x3  }
0x53: {  	[tilespmem:v23+s15+$0x0] =	vst.idx.msk $0xffff, v4  }
0x54: {  	v25 =	vor.u32 $0xD, v1;
	v4 =	vld.idx.msk [tilespmem:v24+s12+$0x0], $0xffff  }
0x55: {  	v26 =	vor.u32 $0xE, v3;
	_ =	sdelay $0x3  }
0x56: {  	[tilespmem:v25+s15+$0x0] =	vst.idx.msk $0xffff, v4  }
0x57: {  	v27 =	vor.u32 $0xE, v1;
	v4 =	vld.idx.msk [tilespmem:v26+s12+$0x0], $0xffff  }
0x58: {  	v3 =	vor.u32 $0xF, v3;
	_ =	sdelay $0x3  }
0x59: {  	[tilespmem:v27+s15+$0x0] =	vst.idx.msk $0xffff, v4  }
0x5a: {  	v28 =	vor.u32 $0xF, v1;
	v3 =	vld.idx.msk [tilespmem:v3+s12+$0x0], $0xffff  }
0x5b: {  	v5 =	vshll.u32 v6, $0x5;
	_ =	sdelay $0x3  }
0x5c: {  	[tilespmem:v28+s15+$0x0] =	vst.idx.msk $0xffff, v3  }
0x5d: {  	v29 =	vor.u32 $0x10, v1;
	v3 =	vld.idx.msk [tilespmem:v5+s13+$0x0], $0xffff  }
0x5e: {  	v6 =	vor.u32 $0x1, v5;
	_ =	sdelay $0x3  }
0x5f: {  	[tilespmem:v29+s15+$0x0] =	vst.idx.msk $0xffff, v3  }
0x60: {  	v30 =	vor.u32 $0x11, v1;
	v3 =	vld.idx.msk [tilespmem:v6+s13+$0x0], $0xffff  }
0x61: {  	v31 =	vor.u32 $0x2, v5;
	_ =	sdelay $0x3  }
0x62: {  	[tilespmem:v30+s15+$0x0] =	vst.idx.msk $0xffff, v3  }
0x63: {  	v32 =	vor.u32 $0x12, v1;
	v3 =	vld.idx.msk [tilespmem:v31+s13+$0x0], $0xffff  }
0x64: {  	v33 =	vor.u32 $0x3, v5;
	_ =	sdelay $0x3  }
0x65: {  	[tilespmem:v32+s15+$0x0] =	vst.idx.msk $0xffff, v3  }
0x66: {  	v34 =	vor.u32 $0x13, v1;
	v3 =	vld.idx.msk [tilespmem:v33+s13+$0x0], $0xffff  }
0x67: {  	v35 =	vor.u32 $0x4, v5;
	_ =	sdelay $0x3  }
0x68: {  	[tilespmem:v34+s15+$0x0] =	vst.idx.msk $0xffff, v3  }
0x69: {  	v36 =	vor.u32 $0x14, v1;
	v3 =	vld.idx.msk [tilespmem:v35+s13+$0x0], $0xffff  }
0x6a: {  	v37 =	vor.u32 $0x5, v5;
	_ =	sdelay $0x3  }
0x6b: {  	[tilespmem:v36+s15+$0x0] =	vst.idx.msk $0xffff, v3  }
0x6c: {  	v38 =	vor.u32 $0x15, v1;
	v3 =	vld.idx.msk [tilespmem:v37+s13+$0x0], $0xffff  }
0x6d: {  	v39 =	vor.u32 $0x6, v5;
	_ =	sdelay $0x3  }
0x6e: {  	[tilespmem:v38+s15+$0x0] =	vst.idx.msk $0xffff, v3  }
0x6f: {  	v40 =	vor.u32 $0x16, v1;
	v3 =	vld.idx.msk [tilespmem:v39+s13+$0x0], $0xffff  }
0x70: {  	v41 =	vor.u32 $0x7, v5;
	_ =	sdelay $0x3  }
0x71: {  	[tilespmem:v40+s15+$0x0] =	vst.idx.msk $0xffff, v3  }
0x72: {  	v42 =	vor.u32 $0x17, v1;
	v3 =	vld.idx.msk [tilespmem:v41+s13+$0x0], $0xffff  }
0x73: {  	v43 =	vor.u32 $0x8, v5;
	_ =	sdelay $0x3  }
0x74: {  	[tilespmem:v42+s15+$0x0] =	vst.idx.msk $0xffff, v3  }
0x75: {  	v44 =	vor.u32 $0x18, v1;
	v3 =	vld.idx.msk [tilespmem:v43+s13+$0x0], $0xffff  }
0x76: {  	v45 =	vor.u32 $0x9, v5;
	_ =	sdelay $0x3  }
0x77: {  	[tilespmem:v44+s15+$0x0] =	vst.idx.msk $0xffff, v3  }
0x78: {  	v46 =	vor.u32 $0x19, v1;
	v3 =	vld.idx.msk [tilespmem:v45+s13+$0x0], $0xffff  }
0x79: {  	v47 =	vor.u32 $0xA, v5;
	_ =	sdelay $0x3  }
0x7a: {  	[tilespmem:v46+s15+$0x0] =	vst.idx.msk $0xffff, v3  }
0x7b: {  	v48 =	vor.u32 $0x1A, v1;
	v3 =	vld.idx.msk [tilespmem:v47+s13+$0x0], $0xffff  }
0x7c: {  	v49 =	vor.u32 $0xB, v5;
	_ =	sdelay $0x3  }
0x7d: {  	[tilespmem:v48+s15+$0x0] =	vst.idx.msk $0xffff, v3  }
0x7e: {  	v50 =	vor.u32 $0x1B, v1;
	v3 =	vld.idx.msk [tilespmem:v49+s13+$0x0], $0xffff  }
0x7f: {  	v51 =	vor.u32 $0xC, v5;
	_ =	sdelay $0x3  }
0x80: {  	[tilespmem:v50+s15+$0x0] =	vst.idx.msk $0xffff, v3  }
0x81: {  	v52 =	vor.u32 $0x1C, v1;
	v3 =	vld.idx.msk [tilespmem:v51+s13+$0x0], $0xffff  }
0x82: {  	v53 =	vor.u32 $0xD, v5;
	_ =	sdelay $0x3  }
0x83: {  	[tilespmem:v52+s15+$0x0] =	vst.idx.msk $0xffff, v3  }
0x84: {  	v54 =	vor.u32 $0x1D, v1;
	v3 =	vld.idx.msk [tilespmem:v53+s13+$0x0], $0xffff  }
0x85: {  	v55 =	vor.u32 $0xE, v5;
	_ =	sdelay $0x3  }
0x86: {  	[tilespmem:v54+s15+$0x0] =	vst.idx.msk $0xffff, v3  }
0x87: {  	v56 =	vor.u32 $0x1E, v1;
	v3 =	vld.idx.msk [tilespmem:v55+s13+$0x0], $0xffff  }
0x88: {  	v57 =	vor.u32 $0xF, v5;
	_ =	sdelay $0x3  }
0x89: {  	[tilespmem:v56+s15+$0x0] =	vst.idx.msk $0xffff, v3  }
0x8a: {  	v58 =	vor.u32 $0x1F, v1;
	v3 =	vld.idx.msk [tilespmem:v57+s13+$0x0], $0xffff  }
0x8b: {  	v59 =	vor.u32 $0x10, v5;
	_ =	sdelay $0x3  }
0x8c: {  	[tilespmem:v58+s15+$0x0] =	vst.idx.msk $0xffff, v3  }
0x8d: {  	v60 =	vor.u32 $0x20, v1;
	v3 =	vld.idx.msk [tilespmem:v59+s13+$0x0], $0xffff  }
0x8e: {  	v61 =	vor.u32 $0x11, v5;
	_ =	sdelay $0x3  }
0x8f: {  	[tilespmem:v60+s15+$0x0] =	vst.idx.msk $0xffff, v3  }
0x90: {  	v62 =	vor.u32 $0x21, v1;
	v3 =	vld.idx.msk [tilespmem:v61+s13+$0x0], $0xffff  }
0x91: {  	v63 =	vor.u32 $0x12, v5;
	_ =	sdelay $0x3  }
0x92: {  	[tilespmem:v62+s15+$0x0] =	vst.idx.msk $0xffff, v3  }
0x93: {  	v9 =	vor.u32 $0x22, v1;
	v3 =	vld.idx.msk [tilespmem:v63+s13+$0x0], $0xffff  }
0x94: {  	v10 =	vor.u32 $0x13, v5;
	_ =	sdelay $0x3  }
0x95: {  	[tilespmem:v9+s15+$0x0] =	vst.idx.msk $0xffff, v3  }
0x96: {  	v11 =	vor.u32 $0x23, v1;
	v3 =	vld.idx.msk [tilespmem:v10+s13+$0x0], $0xffff  }
0x97: {  	v12 =	vor.u32 $0x14, v5;
	_ =	sdelay $0x3  }
0x98: {  	[tilespmem:v11+s15+$0x0] =	vst.idx.msk $0xffff, v3  }
0x99: {  	v13 =	vor.u32 $0x24, v1;
	v3 =	vld.idx.msk [tilespmem:v12+s13+$0x0], $0xffff  }
0x9a: {  	v14 =	vor.u32 $0x15, v5;
	_ =	sdelay $0x3  }
0x9b: {  	[tilespmem:v13+s15+$0x0] =	vst.idx.msk $0xffff, v3  }
0x9c: {  	v15 =	vor.u32 $0x25, v1;
	v3 =	vld.idx.msk [tilespmem:v14+s13+$0x0], $0xffff  }
0x9d: {  	v16 =	vor.u32 $0x16, v5;
	_ =	sdelay $0x3  }
0x9e: {  	[tilespmem:v15+s15+$0x0] =	vst.idx.msk $0xffff, v3  }
0x9f: {  	v17 =	vor.u32 $0x26, v1;
	v3 =	vld.idx.msk [tilespmem:v16+s13+$0x0], $0xffff  }
0xa0: {  	v18 =	vor.u32 $0x17, v5;
	_ =	sdelay $0x3  }
0xa1: {  	[tilespmem:v17+s15+$0x0] =	vst.idx.msk $0xffff, v3  }
0xa2: {  	v19 =	vor.u32 $0x27, v1;
	v3 =	vld.idx.msk [tilespmem:v18+s13+$0x0], $0xffff  }
0xa3: {  	v20 =	vor.u32 $0x18, v5;
	_ =	sdelay $0x3  }
0xa4: {  	[tilespmem:v19+s15+$0x0] =	vst.idx.msk $0xffff, v3  }
0xa5: {  	v21 =	vor.u32 $0x28, v1;
	v3 =	vld.idx.msk [tilespmem:v20+s13+$0x0], $0xffff  }
0xa6: {  	v22 =	vor.u32 $0x19, v5;
	_ =	sdelay $0x3  }
0xa7: {  	[tilespmem:v21+s15+$0x0] =	vst.idx.msk $0xffff, v3  }
0xa8: {  	v23 =	vor.u32 $0x29, v1;
	v3 =	vld.idx.msk [tilespmem:v22+s13+$0x0], $0xffff  }
0xa9: {  	v24 =	vor.u32 $0x1A, v5;
	_ =	sdelay $0x3  }
0xaa: {  	[tilespmem:v23+s15+$0x0] =	vst.idx.msk $0xffff, v3  }
0xab: {  	v25 =	vor.u32 $0x2A, v1;
	v3 =	vld.idx.msk [tilespmem:v24+s13+$0x0], $0xffff  }
0xac: {  	v26 =	vor.u32 $0x1B, v5;
	_ =	sdelay $0x3  }
0xad: {  	[tilespmem:v25+s15+$0x0] =	vst.idx.msk $0xffff, v3  }
0xae: {  	v27 =	vor.u32 $0x2B, v1;
	v3 =	vld.idx.msk [tilespmem:v26+s13+$0x0], $0xffff  }
0xaf: {  	v28 =	vor.u32 $0x1C, v5;
	_ =	sdelay $0x3  }
0xb0: {  	[tilespmem:v27+s15+$0x0] =	vst.idx.msk $0xffff, v3  }
0xb1: {  	v29 =	vor.u32 $0x2C, v1;
	v3 =	vld.idx.msk [tilespmem:v28+s13+$0x0], $0xffff  }
0xb2: {  	v30 =	vor.u32 $0x1D, v5;
	_ =	sdelay $0x3  }
0xb3: {  	[tilespmem:v29+s15+$0x0] =	vst.idx.msk $0xffff, v3  }
0xb4: {  	v31 =	vor.u32 $0x2D, v1;
	v3 =	vld.idx.msk [tilespmem:v30+s13+$0x0], $0xffff  }
0xb5: {  	v32 =	vor.u32 $0x1E, v5;
	_ =	sdelay $0x3  }
0xb6: {  	[tilespmem:v31+s15+$0x0] =	vst.idx.msk $0xffff, v3  }
0xb7: {  	v33 =	vor.u32 $0x2E, v1;
	v3 =	vld.idx.msk [tilespmem:v32+s13+$0x0], $0xffff  }
0xb8: {  	v5 =	vor.u32 $0x1F, v5;
	_ =	sdelay $0x3  }
0xb9: {  	[tilespmem:v33+s15+$0x0] =	vst.idx.msk $0xffff, v3  }
0xba: {  	v34 =	vor.u32 $0x2F, v1;
	v3 =	vld.idx.msk [tilespmem:v5+s13+$0x0], $0xffff  }
0xbb: {  	v2 =	vshll.u32 v2, $0x4;
	_ =	sdelay $0x3  }
0xbc: {  	[tilespmem:v34+s15+$0x0] =	vst.idx.msk $0xffff, v3  }
0xbd: {  	v35 =	vor.u32 $0x30, v1;
	v3 =	vld.idx.msk [tilespmem:v2+s14+$0x0], $0xffff  }
0xbe: {  	v36 =	vor.u32 $0x1, v2;
	_ =	sdelay $0x3  }
0xbf: {  	[tilespmem:v35+s15+$0x0] =	vst.idx.msk $0xffff, v3  }
0xc0: {  	v37 =	vor.u32 $0x31, v1;
	v3 =	vld.idx.msk [tilespmem:v36+s14+$0x0], $0xffff  }
0xc1: {  	v38 =	vor.u32 $0x2, v2;
	_ =	sdelay $0x3  }
0xc2: {  	[tilespmem:v37+s15+$0x0] =	vst.idx.msk $0xffff, v3  }
0xc3: {  	v39 =	vor.u32 $0x32, v1;
	v3 =	vld.idx.msk [tilespmem:v38+s14+$0x0], $0xffff  }
0xc4: {  	v40 =	vor.u32 $0x3, v2;
	_ =	sdelay $0x3  }
0xc5: {  	[tilespmem:v39+s15+$0x0] =	vst.idx.msk $0xffff, v3  }
0xc6: {  	v41 =	vor.u32 $0x33, v1;
	v3 =	vld.idx.msk [tilespmem:v40+s14+$0x0], $0xffff  }
0xc7: {  	v42 =	vor.u32 $0x4, v2;
	_ =	sdelay $0x3  }
0xc8: {  	[tilespmem:v41+s15+$0x0] =	vst.idx.msk $0xffff, v3  }
0xc9: {  	v43 =	vor.u32 $0x34, v1;
	v3 =	vld.idx.msk [tilespmem:v42+s14+$0x0], $0xffff  }
0xca: {  	v44 =	vor.u32 $0x5, v2;
	_ =	sdelay $0x3  }
0xcb: {  	[tilespmem:v43+s15+$0x0] =	vst.idx.msk $0xffff, v3  }
0xcc: {  	v45 =	vor.u32 $0x35, v1;
	v3 =	vld.idx.msk [tilespmem:v44+s14+$0x0], $0xffff  }
0xcd: {  	v46 =	vor.u32 $0x6, v2;
	_ =	sdelay $0x3  }
0xce: {  	[tilespmem:v45+s15+$0x0] =	vst.idx.msk $0xffff, v3  }
0xcf: {  	v47 =	vor.u32 $0x36, v1;
	v3 =	vld.idx.msk [tilespmem:v46+s14+$0x0], $0xffff  }
0xd0: {  	v48 =	vor.u32 $0x7, v2;
	_ =	sdelay $0x3  }
0xd1: {  	[tilespmem:v47+s15+$0x0] =	vst.idx.msk $0xffff, v3  }
0xd2: {  	v49 =	vor.u32 $0x37, v1;
	v3 =	vld.idx.msk [tilespmem:v48+s14+$0x0], $0xffff  }
0xd3: {  	v50 =	vor.u32 $0x8, v2;
	_ =	sdelay $0x3  }
0xd4: {  	[tilespmem:v49+s15+$0x0] =	vst.idx.msk $0xffff, v3  }
0xd5: {  	v51 =	vor.u32 $0x38, v1;
	v3 =	vld.idx.msk [tilespmem:v50+s14+$0x0], $0xffff  }
0xd6: {  	v52 =	vor.u32 $0x9, v2;
	_ =	sdelay $0x3  }
0xd7: {  	[tilespmem:v51+s15+$0x0] =	vst.idx.msk $0xffff, v3  }
0xd8: {  	v53 =	vor.u32 $0x39, v1;
	v3 =	vld.idx.msk [tilespmem:v52+s14+$0x0], $0xffff  }
0xd9: {  	v54 =	vor.u32 $0xA, v2;
	_ =	sdelay $0x3  }
0xda: {  	[tilespmem:v53+s15+$0x0] =	vst.idx.msk $0xffff, v3  }
0xdb: {  	v55 =	vor.u32 $0x3A, v1;
	v3 =	vld.idx.msk [tilespmem:v54+s14+$0x0], $0xffff  }
0xdc: {  	v56 =	vor.u32 $0xB, v2;
	_ =	sdelay $0x3  }
0xdd: {  	[tilespmem:v55+s15+$0x0] =	vst.idx.msk $0xffff, v3  }
0xde: {  	v57 =	vor.u32 $0x3B, v1;
	v3 =	vld.idx.msk [tilespmem:v56+s14+$0x0], $0xffff  }
0xdf: {  	v58 =	vor.u32 $0xC, v2;
	_ =	sdelay $0x3  }
0xe0: {  	[tilespmem:v57+s15+$0x0] =	vst.idx.msk $0xffff, v3  }
0xe1: {  	v59 =	vor.u32 $0x3C, v1;
	v3 =	vld.idx.msk [tilespmem:v58+s14+$0x0], $0xffff  }
0xe2: {  	v60 =	vor.u32 $0xD, v2;
	_ =	sdelay $0x3  }
0xe3: {  	[tilespmem:v59+s15+$0x0] =	vst.idx.msk $0xffff, v3  }
0xe4: {  	v61 =	vor.u32 $0x3D, v1;
	v3 =	vld.idx.msk [tilespmem:v60+s14+$0x0], $0xffff  }
0xe5: {  	v62 =	vor.u32 $0xE, v2;
	_ =	sdelay $0x3  }
0xe6: {  	[tilespmem:v61+s15+$0x0] =	vst.idx.msk $0xffff, v3  }
0xe7: {  	v63 =	vor.u32 $0x3E, v1;
	v3 =	vld.idx.msk [tilespmem:v62+s14+$0x0], $0xffff  }
0xe8: {  	v2 =	vor.u32 $0xF, v2;
	_ =	sdelay $0x3  }
0xe9: {  	[tilespmem:v63+s15+$0x0] =	vst.idx.msk $0xffff, v3  }
0xea: {  	p0 =	sne.s32 s20, $0x1F0;
	v1 =	vor.u32 $0x3F, v1;
	v2 =	vld.idx.msk [tilespmem:v2+s14+$0x0], $0xffff  }
.Ltmp0:
0xeb: {  	_ = 	snop;
	(pc) =	sbr.rel @p0 .LBB2_2-.Ltmp0, $3  }
0xec: {  	_ =	sdelay $0x1  }
0xed: {  	s19 =	sadd.s32 $0x10, s19  }
0xee: {  	s17 =	sadd.s32 $0x10, s17;
	s18 =	sadd.s32 $0x10, s18;
	s20 =	sadd.s32 $0x10, s20;
	[tilespmem:v1+s15+$0x0] =	vst.idx.msk $0xffff, v2  }
0xef: {  	s16 =	sadd.s32 $0x1, s16  }
0xf0: {  	p0 =	sne.s32 s16, s10  }
.Ltmp1:
0xf1: {  	_ = 	snop;
	(pc) =	sbr.rel @p0 .LBB2_1-.Ltmp1, $4  }
0xf2: {  	[hbm4b:s9+s1] =	stream.linear.scatter [tilespmem:s15], [sflag:$0x1], $0x8000, $0x38;
	[tilespmem:$0x8DD0] =	vst v63  }
0xf3: {  	_ =	swait.ge [sflag:s11], $0x8000  }
0xf4: {  	[sflag:s11] =	ssyncset.done $0x0  }
0xf5: {  	[sflag:s11] =	ssyncadd.s32 $0xFFFF8000  }
0xf6: {  	_ =	sfence.sel $0x180000  }
0xf7: {  	[bflag:$0x0] =	sbarrier.arrive $0xFFFF  }
0xf8: {  	p0 =	sne.s32 s2, $0x0;
	_ =	strace $0x90000047  }
0xf9: {  	s0 =	sadd.s32 @!p0 $0x100000, s0;
	[bflag:$0x2] =	sbarrier.arrive $0xFFFF  }
0xfa: {  	[sflag:s0] =	ssyncadd.tile.s32 @!p0 $0x1;
	_ =	shalt  }
.Lfunc_end2:
_tile_overlayer_lowered:
.L_overlay_start_2:
0xfb: {  	(tag) =	ssettag $0x2  }
0xfc: {  	s0 =	rddreg [dreg:$0x0];
	s2 =	stileid.u32  }
0xfd: {  	s1 =	rddreg [dreg:$0x1];
	p0 =	sne.s32 s2, $0x0  }
0xfe: {  	s3 =	rddreg [dreg:$0x2];
	[bflag:$0x3] =	sbarrier.arrive $0xFFFF;
	s2 =	simm.s32 @!p0 $0x1C01  }
0xff: {  	[timem:s3], [sflag:s2] =	dma.local @!p0 [hbm:s0], s1  }
0x100: {  	s0 =	simm.s32 @!p0 $0x1  }
0x101: {  	_ =	swait.ge @!p0 [sflag:s0], s1  }
0x102: {  	s1 =	ssub.s32 @!p0 $0x0, s1;
	[sflag:s0] =	ssyncset.done @!p0 $0x0  }
0x103: {  	[sflag:s0] =	ssyncadd.s32 @!p0 s1  }
0x104: {  	[bflag:$0x3] =	sbarrier.arrive $0xFFFF  }
0x105: {  	_ =	shalt  }

</sc_bundles>
